<compile_context>
chip_gen: v7x
topology: tpu7x:2x2x1
jax: 0.10.2.dev20260603
libtpu: 0.0.44.dev20260713+nightly
codegen_flags: <defaults>
</compile_context>

<pallas_src>
import functools

import jax
import jax.numpy as jnp
from jax import lax
from jax.experimental import pallas as pl
from jax.experimental.pallas import tpu as pltpu
from jax.experimental.pallas import tpu_sc as plsc

_NUM_CORES = 2
_NUM_SUBCORES = 16
_NUM_WORKERS = _NUM_CORES * _NUM_SUBCORES

_CHUNK = 320
_NBUF = 5
_INFLIGHT = 4


def _gather_body(ids_hbm, table_hbm, out_hbm, idx_v, rows_v, sems_i, sems_g, sems_o):
    n_ids = ids_hbm.shape[0]
    b_per_w = n_ids // _NUM_WORKERS
    wid = lax.axis_index("s") * _NUM_CORES + lax.axis_index("c")
    base = wid * b_per_w
    nchunks = b_per_w // _CHUNK

    def idx_start(i, b):
        pltpu.async_copy(ids_hbm.at[pl.ds(base + i * _CHUNK, _CHUNK)],
                         idx_v.at[b], sems_i[b])

    def idx_wait(b):
        pltpu.make_async_copy(ids_hbm.at[pl.ds(base, _CHUNK)],
                              idx_v.at[b], sems_i[b]).wait()

    def gather_start(b):
        pltpu.async_copy(table_hbm.at[idx_v.at[b]], rows_v.at[b], sems_g[b])

    def gather_wait(b):
        pltpu.make_async_copy(table_hbm.at[idx_v.at[b]],
                              rows_v.at[b], sems_g[b]).wait()

    def out_start(i, b):
        pltpu.async_copy(rows_v.at[b],
                         out_hbm.at[pl.ds(base + i * _CHUNK, _CHUNK)], sems_o[b])

    def out_wait(b):
        pltpu.make_async_copy(rows_v.at[b],
                              out_hbm.at[pl.ds(base, _CHUNK)], sems_o[b]).wait()

    for k in range(_NBUF):
        idx_start(k, k)
    for k in range(_INFLIGHT):
        idx_wait(k)
        gather_start(k)

    def group(g, carry):
        for b in range(_NBUF):
            i = g * _NBUF + b
            bg = (b + _INFLIGHT) % _NBUF

            @pl.when(i + _INFLIGHT < nchunks)
            def _():
                idx_wait(bg)

                @pl.when(i >= _NBUF - _INFLIGHT)
                def _():
                    out_wait(bg)

                gather_start(bg)

            gather_wait(b)
            out_start(i, b)

            @pl.when(i + _NBUF < nchunks)
            def _():
                idx_start(i + _NBUF, b)
        return carry

    lax.fori_loop(0, nchunks // _NBUF, group, 0)

    for b in range(_NBUF):
        out_wait(b)


@jax.jit
def kernel(token_ids, weight):
    orig_shape = token_ids.shape
    flat_ids = token_ids.reshape(-1).astype(jnp.int32)
    n = flat_ids.shape[0]
    dim = weight.shape[1]

    mesh = plsc.VectorSubcoreMesh(
        core_axis_name="c",
        subcore_axis_name="s",
        num_cores=_NUM_CORES,
        num_subcores=_NUM_SUBCORES,
    )
    dma_sems = tuple(pltpu.SemaphoreType.DMA for _ in range(_NBUF))
    run = pl.kernel(
        _gather_body,
        out_type=jax.ShapeDtypeStruct((n, dim), weight.dtype),
        mesh=mesh,
        scratch_types=[
            pltpu.VMEM((_NBUF, _CHUNK), jnp.int32),
            pltpu.VMEM((_NBUF, _CHUNK, dim), weight.dtype),
            dma_sems,
            dma_sems,
            dma_sems,
        ],
        compiler_params=pltpu.CompilerParams(use_tc_tiling_on_sc=False),
    )
    out = run(flat_ids, weight)
    return out.reshape(*orig_shape, dim)

# --- scband reference (transcript-rebuilt; emitter-appended) ---
"""Pipeline reference for scband-embedding-12584254177946 (READ-ONLY COPY).

The authoritative reference and input builder live on the scoring server;
editing this copy changes nothing except your own understanding.
"""

import jax, jax.numpy as jnp
import numpy as np

NUM_EMBEDDINGS = 1000000
EMBEDDING_DIM = 64


def setup_inputs(seed: int = 0) -> dict:
    key = jax.random.key(seed)
    k_idx, k_w = jax.random.split(key)
    token_ids = jax.random.randint(k_idx, (16384, 50), 0, NUM_EMBEDDINGS, dtype=jnp.int64 if jax.config.jax_enable_x64 else jnp.int32)
    # trunc_normal_(mean=0, std=1, a=-3, b=3)
    weight = jax.random.truncated_normal(k_w, -3.0, 3.0, (NUM_EMBEDDINGS, EMBEDDING_DIM), dtype=jnp.float32)
    return {"token_ids": token_ids, "weight": weight}


def reference(token_ids, weight):
    # self.weight[token_ids] -> gather rows
    return jnp.take(weight, token_ids, axis=0)

if __name__ == "__main__":
    import jax
    _d = setup_inputs()
    print(jax.jit(kernel)(*tuple(_d.values())))

</pallas_src>

<mosaic_0001>
#map = affine_map<(d0, d1) -> (0)>
#map1 = affine_map<(d0, d1) -> (0, 0)>
module attributes {stable_mosaic.version = 14 : i64} {
  func.func @_gather_body(%arg0: i32, %arg1: i32, %arg2: memref<819200xi32, #tpu.memory_space<hbm>>, %arg3: memref<1000000x64xf32, #tpu.memory_space<hbm>>, %arg4: memref<819200x64xf32, #tpu.memory_space<hbm>>, %arg5: memref<5x320xi32, #tpu.memory_space<vmem>>, %arg6: memref<5x320x64xf32, #tpu.memory_space<vmem>>, %arg7: memref<!tpu.dma_semaphore, #tpu.memory_space<semaphore_mem>>, %arg8: memref<!tpu.dma_semaphore, #tpu.memory_space<semaphore_mem>>, %arg9: memref<!tpu.dma_semaphore, #tpu.memory_space<semaphore_mem>>, %arg10: memref<!tpu.dma_semaphore, #tpu.memory_space<semaphore_mem>>, %arg11: memref<!tpu.dma_semaphore, #tpu.memory_space<semaphore_mem>>, %arg12: memref<!tpu.dma_semaphore, #tpu.memory_space<semaphore_mem>>, %arg13: memref<!tpu.dma_semaphore, #tpu.memory_space<semaphore_mem>>, %arg14: memref<!tpu.dma_semaphore, #tpu.memory_space<semaphore_mem>>, %arg15: memref<!tpu.dma_semaphore, #tpu.memory_space<semaphore_mem>>, %arg16: memref<!tpu.dma_semaphore, #tpu.memory_space<semaphore_mem>>, %arg17: memref<!tpu.dma_semaphore, #tpu.memory_space<semaphore_mem>>, %arg18: memref<!tpu.dma_semaphore, #tpu.memory_space<semaphore_mem>>, %arg19: memref<!tpu.dma_semaphore, #tpu.memory_space<semaphore_mem>>, %arg20: memref<!tpu.dma_semaphore, #tpu.memory_space<semaphore_mem>>, %arg21: memref<!tpu.dma_semaphore, #tpu.memory_space<semaphore_mem>>) attributes {dimension_semantics = [#tpu.dimension_semantics<core_parallel>, #tpu.dimension_semantics<subcore_parallel>], iteration_bounds = array<i64: 2, 16>, scalar_prefetch = 0 : i64, scratch_operands = 17 : i64, tpu.core_type = #tpu.core_type<sc_vector_subcore>, window_params = [{transform_indices = #map}, {transform_indices = #map1}, {transform_indices = #map1}]} {
    %mul3A = arith.constant 2 : i32
    %mul3A_0 = arith.muli %arg1, %mul3A : i32
    %add3A = arith.addi %mul3A_0, %arg0 : i32
    %mul3A_1 = arith.constant 25600 : i32
    %mul3A_2 = arith.muli %add3A, %mul3A_1 : i32
    %add3A_3 = arith.constant 0 : i32
    %add3A_4 = arith.addi %mul3A_2, %add3A_3 : i32
    %dma_start3A = arith.constant 0 : i32
    %dma_start3A_5 = arith.constant 0 : i32
    %dma_start3A_6 = tpu.memref_slice %arg5[%dma_start3A, %dma_start3A_5] : memref<5x320xi32, #tpu.memory_space<vmem>> -> memref<1x320xi32, #tpu.memory_space<vmem>>
    %dma_start3A_7 = tpu.memref_squeeze %dma_start3A_6 : memref<1x320xi32, #tpu.memory_space<vmem>> -> memref<320xi32, #tpu.memory_space<vmem>>
    %dma_start3A_8 = tpu.memref_slice %arg2[%add3A_4] : memref<819200xi32, #tpu.memory_space<hbm>> -> memref<320xi32, #tpu.memory_space<hbm>>
    %dma_start3A_9 = arith.constant 0 : i32
    %dma_start3A_10 = tpu.memref_slice %arg5[%dma_start3A, %dma_start3A_9] : memref<5x320xi32, #tpu.memory_space<vmem>> -> memref<1x320xi32, #tpu.memory_space<vmem>>
    %dma_start3A_11 = tpu.memref_squeeze %dma_start3A_10 : memref<1x320xi32, #tpu.memory_space<vmem>> -> memref<320xi32, #tpu.memory_space<vmem>>
    %dma_start3A_12 = tpu.memref_slice %arg2[%add3A_4] : memref<819200xi32, #tpu.memory_space<hbm>> -> memref<320xi32, #tpu.memory_space<hbm>>
    tpu.enqueue_dma source(%dma_start3A_12 : memref<320xi32, #tpu.memory_space<hbm>>) target(%dma_start3A_11 : memref<320xi32, #tpu.memory_space<vmem>>) target_semaphore(%arg7 : memref<!tpu.dma_semaphore, #tpu.memory_space<semaphore_mem>>)
    %add3A_13 = arith.constant 320 : i32
    %add3A_14 = arith.addi %mul3A_2, %add3A_13 : i32
    %dma_start3A_15 = arith.constant 1 : i32
    %dma_start3A_16 = arith.constant 0 : i32
    %dma_start3A_17 = tpu.memref_slice %arg5[%dma_start3A_15, %dma_start3A_16] : memref<5x320xi32, #tpu.memory_space<vmem>> -> memref<1x320xi32, #tpu.memory_space<vmem>>
    %dma_start3A_18 = tpu.memref_squeeze %dma_start3A_17 : memref<1x320xi32, #tpu.memory_space<vmem>> -> memref<320xi32, #tpu.memory_space<vmem>>
    %dma_start3A_19 = tpu.memref_slice %arg2[%add3A_14] : memref<819200xi32, #tpu.memory_space<hbm>> -> memref<320xi32, #tpu.memory_space<hbm>>
    %dma_start3A_20 = arith.constant 0 : i32
    %dma_start3A_21 = tpu.memref_slice %arg5[%dma_start3A_15, %dma_start3A_20] : memref<5x320xi32, #tpu.memory_space<vmem>> -> memref<1x320xi32, #tpu.memory_space<vmem>>
    %dma_start3A_22 = tpu.memref_squeeze %dma_start3A_21 : memref<1x320xi32, #tpu.memory_space<vmem>> -> memref<320xi32, #tpu.memory_space<vmem>>
    %dma_start3A_23 = tpu.memref_slice %arg2[%add3A_14] : memref<819200xi32, #tpu.memory_space<hbm>> -> memref<320xi32, #tpu.memory_space<hbm>>
    tpu.enqueue_dma source(%dma_start3A_23 : memref<320xi32, #tpu.memory_space<hbm>>) target(%dma_start3A_22 : memref<320xi32, #tpu.memory_space<vmem>>) target_semaphore(%arg8 : memref<!tpu.dma_semaphore, #tpu.memory_space<semaphore_mem>>)
    %add3A_24 = arith.constant 640 : i32
    %add3A_25 = arith.addi %mul3A_2, %add3A_24 : i32
    %dma_start3A_26 = arith.constant 2 : i32
    %dma_start3A_27 = arith.constant 0 : i32
    %dma_start3A_28 = tpu.memref_slice %arg5[%dma_start3A_26, %dma_start3A_27] : memref<5x320xi32, #tpu.memory_space<vmem>> -> memref<1x320xi32, #tpu.memory_space<vmem>>
    %dma_start3A_29 = tpu.memref_squeeze %dma_start3A_28 : memref<1x320xi32, #tpu.memory_space<vmem>> -> memref<320xi32, #tpu.memory_space<vmem>>
    %dma_start3A_30 = tpu.memref_slice %arg2[%add3A_25] : memref<819200xi32, #tpu.memory_space<hbm>> -> memref<320xi32, #tpu.memory_space<hbm>>
    %dma_start3A_31 = arith.constant 0 : i32
    %dma_start3A_32 = tpu.memref_slice %arg5[%dma_start3A_26, %dma_start3A_31] : memref<5x320xi32, #tpu.memory_space<vmem>> -> memref<1x320xi32, #tpu.memory_space<vmem>>
    %dma_start3A_33 = tpu.memref_squeeze %dma_start3A_32 : memref<1x320xi32, #tpu.memory_space<vmem>> -> memref<320xi32, #tpu.memory_space<vmem>>
    %dma_start3A_34 = tpu.memref_slice %arg2[%add3A_25] : memref<819200xi32, #tpu.memory_space<hbm>> -> memref<320xi32, #tpu.memory_space<hbm>>
    tpu.enqueue_dma source(%dma_start3A_34 : memref<320xi32, #tpu.memory_space<hbm>>) target(%dma_start3A_33 : memref<320xi32, #tpu.memory_space<vmem>>) target_semaphore(%arg9 : memref<!tpu.dma_semaphore, #tpu.memory_space<semaphore_mem>>)
    %add3A_35 = arith.constant 960 : i32
    %add3A_36 = arith.addi %mul3A_2, %add3A_35 : i32
    %dma_start3A_37 = arith.constant 3 : i32
    %dma_start3A_38 = arith.constant 0 : i32
    %dma_start3A_39 = tpu.memref_slice %arg5[%dma_start3A_37, %dma_start3A_38] : memref<5x320xi32, #tpu.memory_space<vmem>> -> memref<1x320xi32, #tpu.memory_space<vmem>>
    %dma_start3A_40 = tpu.memref_squeeze %dma_start3A_39 : memref<1x320xi32, #tpu.memory_space<vmem>> -> memref<320xi32, #tpu.memory_space<vmem>>
    %dma_start3A_41 = tpu.memref_slice %arg2[%add3A_36] : memref<819200xi32, #tpu.memory_space<hbm>> -> memref<320xi32, #tpu.memory_space<hbm>>
    %dma_start3A_42 = arith.constant 0 : i32
    %dma_start3A_43 = tpu.memref_slice %arg5[%dma_start3A_37, %dma_start3A_42] : memref<5x320xi32, #tpu.memory_space<vmem>> -> memref<1x320xi32, #tpu.memory_space<vmem>>
    %dma_start3A_44 = tpu.memref_squeeze %dma_start3A_43 : memref<1x320xi32, #tpu.memory_space<vmem>> -> memref<320xi32, #tpu.memory_space<vmem>>
    %dma_start3A_45 = tpu.memref_slice %arg2[%add3A_36] : memref<819200xi32, #tpu.memory_space<hbm>> -> memref<320xi32, #tpu.memory_space<hbm>>
    tpu.enqueue_dma source(%dma_start3A_45 : memref<320xi32, #tpu.memory_space<hbm>>) target(%dma_start3A_44 : memref<320xi32, #tpu.memory_space<vmem>>) target_semaphore(%arg10 : memref<!tpu.dma_semaphore, #tpu.memory_space<semaphore_mem>>)
    %add3A_46 = arith.constant 1280 : i32
    %add3A_47 = arith.addi %mul3A_2, %add3A_46 : i32
    %dma_start3A_48 = arith.constant 4 : i32
    %dma_start3A_49 = arith.constant 0 : i32
    %dma_start3A_50 = tpu.memref_slice %arg5[%dma_start3A_48, %dma_start3A_49] : memref<5x320xi32, #tpu.memory_space<vmem>> -> memref<1x320xi32, #tpu.memory_space<vmem>>
    %dma_start3A_51 = tpu.memref_squeeze %dma_start3A_50 : memref<1x320xi32, #tpu.memory_space<vmem>> -> memref<320xi32, #tpu.memory_space<vmem>>
    %dma_start3A_52 = tpu.memref_slice %arg2[%add3A_47] : memref<819200xi32, #tpu.memory_space<hbm>> -> memref<320xi32, #tpu.memory_space<hbm>>
    %dma_start3A_53 = arith.constant 0 : i32
    %dma_start3A_54 = tpu.memref_slice %arg5[%dma_start3A_48, %dma_start3A_53] : memref<5x320xi32, #tpu.memory_space<vmem>> -> memref<1x320xi32, #tpu.memory_space<vmem>>
    %dma_start3A_55 = tpu.memref_squeeze %dma_start3A_54 : memref<1x320xi32, #tpu.memory_space<vmem>> -> memref<320xi32, #tpu.memory_space<vmem>>
    %dma_start3A_56 = tpu.memref_slice %arg2[%add3A_47] : memref<819200xi32, #tpu.memory_space<hbm>> -> memref<320xi32, #tpu.memory_space<hbm>>
    tpu.enqueue_dma source(%dma_start3A_56 : memref<320xi32, #tpu.memory_space<hbm>>) target(%dma_start3A_55 : memref<320xi32, #tpu.memory_space<vmem>>) target_semaphore(%arg11 : memref<!tpu.dma_semaphore, #tpu.memory_space<semaphore_mem>>)
    %dma_wait3A = arith.constant 0 : i32
    %dma_wait3A_57 = arith.constant 0 : i32
    %dma_wait3A_58 = tpu.memref_slice %arg5[%dma_wait3A, %dma_wait3A_57] : memref<5x320xi32, #tpu.memory_space<vmem>> -> memref<1x320xi32, #tpu.memory_space<vmem>>
    %dma_wait3A_59 = tpu.memref_squeeze %dma_wait3A_58 : memref<1x320xi32, #tpu.memory_space<vmem>> -> memref<320xi32, #tpu.memory_space<vmem>>
    %dma_wait3A_60 = tpu.memref_slice %arg2[%mul3A_2] : memref<819200xi32, #tpu.memory_space<hbm>> -> memref<320xi32, #tpu.memory_space<hbm>>
    %dma_wait3A_61 = arith.constant 0 : i32
    %dma_wait3A_62 = tpu.memref_slice %arg5[%dma_wait3A, %dma_wait3A_61] : memref<5x320xi32, #tpu.memory_space<vmem>> -> memref<1x320xi32, #tpu.memory_space<vmem>>
    %dma_wait3A_63 = tpu.memref_squeeze %dma_wait3A_62 : memref<1x320xi32, #tpu.memory_space<vmem>> -> memref<320xi32, #tpu.memory_space<vmem>>
    %dma_wait3A_64 = tpu.memref_slice %arg2[%mul3A_2] : memref<819200xi32, #tpu.memory_space<hbm>> -> memref<320xi32, #tpu.memory_space<hbm>>
    tpu.wait_dma2 semaphore(%arg7 : memref<!tpu.dma_semaphore, #tpu.memory_space<semaphore_mem>>) src(%dma_wait3A_64 : memref<320xi32, #tpu.memory_space<hbm>>) dst(%dma_wait3A_63 : memref<320xi32, #tpu.memory_space<vmem>>)
    %dma_start3A_65 = arith.constant 0 : i32
    %dma_start3A_66 = arith.constant 0 : i32
    %dma_start3A_67 = arith.constant 0 : i32
    %dma_start3A_68 = arith.constant 0 : i32
    %dma_start3A_69 = tpu.memref_slice %arg6[%dma_start3A_66, %dma_start3A_67, %dma_start3A_68] : memref<5x320x64xf32, #tpu.memory_space<vmem>> -> memref<1x320x64xf32, #tpu.memory_space<vmem>>
    %dma_start3A_70 = tpu.memref_squeeze %dma_start3A_69 : memref<1x320x64xf32, #tpu.memory_space<vmem>> -> memref<320x64xf32, #tpu.memory_space<vmem>>
    %dma_start3A_71 = arith.constant 0 : i32
    %dma_start3A_72 = tpu.memref_slice %arg5[%dma_start3A_65, %dma_start3A_71] : memref<5x320xi32, #tpu.memory_space<vmem>> -> memref<1x320xi32, #tpu.memory_space<vmem>>
    %dma_start3A_73 = tpu.memref_squeeze %dma_start3A_72 : memref<1x320xi32, #tpu.memory_space<vmem>> -> memref<320xi32, #tpu.memory_space<vmem>>
    %dma_start3A_74 = arith.constant 0 : i32
    %dma_start3A_75 = arith.constant 0 : i32
    %dma_start3A_76 = tpu.memref_slice %arg3[%dma_start3A_74, %dma_start3A_75] : memref<1000000x64xf32, #tpu.memory_space<hbm>> -> memref<1000000x64xf32, #tpu.memory_space<hbm>>
    tpu.enqueue_indirect_dma source(%dma_start3A_76 : memref<1000000x64xf32, #tpu.memory_space<hbm>>) target(%dma_start3A_70 : memref<320x64xf32, #tpu.memory_space<vmem>>) offsets(%dma_start3A_73 : memref<320xi32, #tpu.memory_space<vmem>>) semaphore(%arg12 : memref<!tpu.dma_semaphore, #tpu.memory_space<semaphore_mem>>)
    %dma_wait3A_77 = arith.constant 1 : i32
    %dma_wait3A_78 = arith.constant 0 : i32
    %dma_wait3A_79 = tpu.memref_slice %arg5[%dma_wait3A_77, %dma_wait3A_78] : memref<5x320xi32, #tpu.memory_space<vmem>> -> memref<1x320xi32, #tpu.memory_space<vmem>>
    %dma_wait3A_80 = tpu.memref_squeeze %dma_wait3A_79 : memref<1x320xi32, #tpu.memory_space<vmem>> -> memref<320xi32, #tpu.memory_space<vmem>>
    %dma_wait3A_81 = tpu.memref_slice %arg2[%mul3A_2] : memref<819200xi32, #tpu.memory_space<hbm>> -> memref<320xi32, #tpu.memory_space<hbm>>
    %dma_wait3A_82 = arith.constant 0 : i32
    %dma_wait3A_83 = tpu.memref_slice %arg5[%dma_wait3A_77, %dma_wait3A_82] : memref<5x320xi32, #tpu.memory_space<vmem>> -> memref<1x320xi32, #tpu.memory_space<vmem>>
    %dma_wait3A_84 = tpu.memref_squeeze %dma_wait3A_83 : memref<1x320xi32, #tpu.memory_space<vmem>> -> memref<320xi32, #tpu.memory_space<vmem>>
    %dma_wait3A_85 = tpu.memref_slice %arg2[%mul3A_2] : memref<819200xi32, #tpu.memory_space<hbm>> -> memref<320xi32, #tpu.memory_space<hbm>>
    tpu.wait_dma2 semaphore(%arg8 : memref<!tpu.dma_semaphore, #tpu.memory_space<semaphore_mem>>) src(%dma_wait3A_85 : memref<320xi32, #tpu.memory_space<hbm>>) dst(%dma_wait3A_84 : memref<320xi32, #tpu.memory_space<vmem>>)
    %dma_start3A_86 = arith.constant 1 : i32
    %dma_start3A_87 = arith.constant 1 : i32
    %dma_start3A_88 = arith.constant 0 : i32
    %dma_start3A_89 = arith.constant 0 : i32
    %dma_start3A_90 = tpu.memref_slice %arg6[%dma_start3A_87, %dma_start3A_88, %dma_start3A_89] : memref<5x320x64xf32, #tpu.memory_space<vmem>> -> memref<1x320x64xf32, #tpu.memory_space<vmem>>
    %dma_start3A_91 = tpu.memref_squeeze %dma_start3A_90 : memref<1x320x64xf32, #tpu.memory_space<vmem>> -> memref<320x64xf32, #tpu.memory_space<vmem>>
    %dma_start3A_92 = arith.constant 0 : i32
    %dma_start3A_93 = tpu.memref_slice %arg5[%dma_start3A_86, %dma_start3A_92] : memref<5x320xi32, #tpu.memory_space<vmem>> -> memref<1x320xi32, #tpu.memory_space<vmem>>
    %dma_start3A_94 = tpu.memref_squeeze %dma_start3A_93 : memref<1x320xi32, #tpu.memory_space<vmem>> -> memref<320xi32, #tpu.memory_space<vmem>>
    %dma_start3A_95 = arith.constant 0 : i32
    %dma_start3A_96 = arith.constant 0 : i32
    %dma_start3A_97 = tpu.memref_slice %arg3[%dma_start3A_95, %dma_start3A_96] : memref<1000000x64xf32, #tpu.memory_space<hbm>> -> memref<1000000x64xf32, #tpu.memory_space<hbm>>
    tpu.enqueue_indirect_dma source(%dma_start3A_97 : memref<1000000x64xf32, #tpu.memory_space<hbm>>) target(%dma_start3A_91 : memref<320x64xf32, #tpu.memory_space<vmem>>) offsets(%dma_start3A_94 : memref<320xi32, #tpu.memory_space<vmem>>) semaphore(%arg13 : memref<!tpu.dma_semaphore, #tpu.memory_space<semaphore_mem>>)
    %dma_wait3A_98 = arith.constant 2 : i32
    %dma_wait3A_99 = arith.constant 0 : i32
    %dma_wait3A_100 = tpu.memref_slice %arg5[%dma_wait3A_98, %dma_wait3A_99] : memref<5x320xi32, #tpu.memory_space<vmem>> -> memref<1x320xi32, #tpu.memory_space<vmem>>
    %dma_wait3A_101 = tpu.memref_squeeze %dma_wait3A_100 : memref<1x320xi32, #tpu.memory_space<vmem>> -> memref<320xi32, #tpu.memory_space<vmem>>
    %dma_wait3A_102 = tpu.memref_slice %arg2[%mul3A_2] : memref<819200xi32, #tpu.memory_space<hbm>> -> memref<320xi32, #tpu.memory_space<hbm>>
    %dma_wait3A_103 = arith.constant 0 : i32
    %dma_wait3A_104 = tpu.memref_slice %arg5[%dma_wait3A_98, %dma_wait3A_103] : memref<5x320xi32, #tpu.memory_space<vmem>> -> memref<1x320xi32, #tpu.memory_space<vmem>>
    %dma_wait3A_105 = tpu.memref_squeeze %dma_wait3A_104 : memref<1x320xi32, #tpu.memory_space<vmem>> -> memref<320xi32, #tpu.memory_space<vmem>>
    %dma_wait3A_106 = tpu.memref_slice %arg2[%mul3A_2] : memref<819200xi32, #tpu.memory_space<hbm>> -> memref<320xi32, #tpu.memory_space<hbm>>
    tpu.wait_dma2 semaphore(%arg9 : memref<!tpu.dma_semaphore, #tpu.memory_space<semaphore_mem>>) src(%dma_wait3A_106 : memref<320xi32, #tpu.memory_space<hbm>>) dst(%dma_wait3A_105 : memref<320xi32, #tpu.memory_space<vmem>>)
    %dma_start3A_107 = arith.constant 2 : i32
    %dma_start3A_108 = arith.constant 2 : i32
    %dma_start3A_109 = arith.constant 0 : i32
    %dma_start3A_110 = arith.constant 0 : i32
    %dma_start3A_111 = tpu.memref_slice %arg6[%dma_start3A_108, %dma_start3A_109, %dma_start3A_110] : memref<5x320x64xf32, #tpu.memory_space<vmem>> -> memref<1x320x64xf32, #tpu.memory_space<vmem>>
    %dma_start3A_112 = tpu.memref_squeeze %dma_start3A_111 : memref<1x320x64xf32, #tpu.memory_space<vmem>> -> memref<320x64xf32, #tpu.memory_space<vmem>>
    %dma_start3A_113 = arith.constant 0 : i32
    %dma_start3A_114 = tpu.memref_slice %arg5[%dma_start3A_107, %dma_start3A_113] : memref<5x320xi32, #tpu.memory_space<vmem>> -> memref<1x320xi32, #tpu.memory_space<vmem>>
    %dma_start3A_115 = tpu.memref_squeeze %dma_start3A_114 : memref<1x320xi32, #tpu.memory_space<vmem>> -> memref<320xi32, #tpu.memory_space<vmem>>
    %dma_start3A_116 = arith.constant 0 : i32
    %dma_start3A_117 = arith.constant 0 : i32
    %dma_start3A_118 = tpu.memref_slice %arg3[%dma_start3A_116, %dma_start3A_117] : memref<1000000x64xf32, #tpu.memory_space<hbm>> -> memref<1000000x64xf32, #tpu.memory_space<hbm>>
    tpu.enqueue_indirect_dma source(%dma_start3A_118 : memref<1000000x64xf32, #tpu.memory_space<hbm>>) target(%dma_start3A_112 : memref<320x64xf32, #tpu.memory_space<vmem>>) offsets(%dma_start3A_115 : memref<320xi32, #tpu.memory_space<vmem>>) semaphore(%arg14 : memref<!tpu.dma_semaphore, #tpu.memory_space<semaphore_mem>>)
    %dma_wait3A_119 = arith.constant 3 : i32
    %dma_wait3A_120 = arith.constant 0 : i32
    %dma_wait3A_121 = tpu.memref_slice %arg5[%dma_wait3A_119, %dma_wait3A_120] : memref<5x320xi32, #tpu.memory_space<vmem>> -> memref<1x320xi32, #tpu.memory_space<vmem>>
    %dma_wait3A_122 = tpu.memref_squeeze %dma_wait3A_121 : memref<1x320xi32, #tpu.memory_space<vmem>> -> memref<320xi32, #tpu.memory_space<vmem>>
    %dma_wait3A_123 = tpu.memref_slice %arg2[%mul3A_2] : memref<819200xi32, #tpu.memory_space<hbm>> -> memref<320xi32, #tpu.memory_space<hbm>>
    %dma_wait3A_124 = arith.constant 0 : i32
    %dma_wait3A_125 = tpu.memref_slice %arg5[%dma_wait3A_119, %dma_wait3A_124] : memref<5x320xi32, #tpu.memory_space<vmem>> -> memref<1x320xi32, #tpu.memory_space<vmem>>
    %dma_wait3A_126 = tpu.memref_squeeze %dma_wait3A_125 : memref<1x320xi32, #tpu.memory_space<vmem>> -> memref<320xi32, #tpu.memory_space<vmem>>
    %dma_wait3A_127 = tpu.memref_slice %arg2[%mul3A_2] : memref<819200xi32, #tpu.memory_space<hbm>> -> memref<320xi32, #tpu.memory_space<hbm>>
    tpu.wait_dma2 semaphore(%arg10 : memref<!tpu.dma_semaphore, #tpu.memory_space<semaphore_mem>>) src(%dma_wait3A_127 : memref<320xi32, #tpu.memory_space<hbm>>) dst(%dma_wait3A_126 : memref<320xi32, #tpu.memory_space<vmem>>)
    %dma_start3A_128 = arith.constant 3 : i32
    %dma_start3A_129 = arith.constant 3 : i32
    %dma_start3A_130 = arith.constant 0 : i32
    %dma_start3A_131 = arith.constant 0 : i32
    %dma_start3A_132 = tpu.memref_slice %arg6[%dma_start3A_129, %dma_start3A_130, %dma_start3A_131] : memref<5x320x64xf32, #tpu.memory_space<vmem>> -> memref<1x320x64xf32, #tpu.memory_space<vmem>>
    %dma_start3A_133 = tpu.memref_squeeze %dma_start3A_132 : memref<1x320x64xf32, #tpu.memory_space<vmem>> -> memref<320x64xf32, #tpu.memory_space<vmem>>
    %dma_start3A_134 = arith.constant 0 : i32
    %dma_start3A_135 = tpu.memref_slice %arg5[%dma_start3A_128, %dma_start3A_134] : memref<5x320xi32, #tpu.memory_space<vmem>> -> memref<1x320xi32, #tpu.memory_space<vmem>>
    %dma_start3A_136 = tpu.memref_squeeze %dma_start3A_135 : memref<1x320xi32, #tpu.memory_space<vmem>> -> memref<320xi32, #tpu.memory_space<vmem>>
    %dma_start3A_137 = arith.constant 0 : i32
    %dma_start3A_138 = arith.constant 0 : i32
    %dma_start3A_139 = tpu.memref_slice %arg3[%dma_start3A_137, %dma_start3A_138] : memref<1000000x64xf32, #tpu.memory_space<hbm>> -> memref<1000000x64xf32, #tpu.memory_space<hbm>>
    tpu.enqueue_indirect_dma source(%dma_start3A_139 : memref<1000000x64xf32, #tpu.memory_space<hbm>>) target(%dma_start3A_133 : memref<320x64xf32, #tpu.memory_space<vmem>>) offsets(%dma_start3A_136 : memref<320xi32, #tpu.memory_space<vmem>>) semaphore(%arg15 : memref<!tpu.dma_semaphore, #tpu.memory_space<semaphore_mem>>)
    %scan3A = arith.constant 0 : i32
    %scan3A_140 = arith.constant 0 : i32
    %scan3A_141 = arith.constant 16 : i32
    %scan3A_142 = arith.addi %scan3A_140, %scan3A_141 : i32
    %scan3A_143 = arith.constant 1 : i32
    scf.for %scan3A_210 = %scan3A_140 to %scan3A_142 step %scan3A_143  : i32 {
      %mul3A_211 = arith.constant 5 : i32
      %mul3A_212 = arith.muli %scan3A_210, %mul3A_211 : i32
      %add3A_213 = arith.constant 0 : i32
      %add3A_214 = arith.addi %mul3A_212, %add3A_213 : i32
      %add3A_215 = arith.constant 4 : i32
      %add3A_216 = arith.addi %add3A_214, %add3A_215 : i32
      %lt3A = arith.constant 80 : i32
      %lt3A_217 = arith.cmpi slt, %add3A_216, %lt3A : i32
      %convert_element_type3A = arith.extui %lt3A_217 : i1 to i32
      %cond3A = arith.constant 0 : i32
      %cond3A_218 = arith.cmpi ne, %convert_element_type3A, %cond3A : i32
      scf.if %cond3A_218 {
        %dma_wait3A_438 = arith.constant 4 : i32
        %dma_wait3A_439 = arith.constant 0 : i32
        %dma_wait3A_440 = tpu.memref_slice %arg5[%dma_wait3A_438, %dma_wait3A_439] : memref<5x320xi32, #tpu.memory_space<vmem>> -> memref<1x320xi32, #tpu.memory_space<vmem>>
        %dma_wait3A_441 = tpu.memref_squeeze %dma_wait3A_440 : memref<1x320xi32, #tpu.memory_space<vmem>> -> memref<320xi32, #tpu.memory_space<vmem>>
        %dma_wait3A_442 = tpu.memref_slice %arg2[%mul3A_2] : memref<819200xi32, #tpu.memory_space<hbm>> -> memref<320xi32, #tpu.memory_space<hbm>>
        %dma_wait3A_443 = arith.constant 0 : i32
        %dma_wait3A_444 = tpu.memref_slice %arg5[%dma_wait3A_438, %dma_wait3A_443] : memref<5x320xi32, #tpu.memory_space<vmem>> -> memref<1x320xi32, #tpu.memory_space<vmem>>
        %dma_wait3A_445 = tpu.memref_squeeze %dma_wait3A_444 : memref<1x320xi32, #tpu.memory_space<vmem>> -> memref<320xi32, #tpu.memory_space<vmem>>
        %dma_wait3A_446 = tpu.memref_slice %arg2[%mul3A_2] : memref<819200xi32, #tpu.memory_space<hbm>> -> memref<320xi32, #tpu.memory_space<hbm>>
        tpu.wait_dma2 semaphore(%arg11 : memref<!tpu.dma_semaphore, #tpu.memory_space<semaphore_mem>>) src(%dma_wait3A_446 : memref<320xi32, #tpu.memory_space<hbm>>) dst(%dma_wait3A_445 : memref<320xi32, #tpu.memory_space<vmem>>)
        %ge3A = arith.constant 1 : i32
        %ge3A_447 = arith.cmpi sge, %add3A_214, %ge3A : i32
        %convert_element_type3A_448 = arith.extui %ge3A_447 : i1 to i32
        %cond3A_449 = arith.constant 0 : i32
        %cond3A_450 = arith.cmpi ne, %convert_element_type3A_448, %cond3A_449 : i32
        scf.if %cond3A_450 {
          %dma_wait3A_463 = arith.constant 4 : i32
          %dma_wait3A_464 = arith.constant 0 : i32
          %dma_wait3A_465 = arith.constant 0 : i32
          %dma_wait3A_466 = tpu.memref_slice %arg6[%dma_wait3A_463, %dma_wait3A_464, %dma_wait3A_465] : memref<5x320x64xf32, #tpu.memory_space<vmem>> -> memref<1x320x64xf32, #tpu.memory_space<vmem>>
          %dma_wait3A_467 = tpu.memref_squeeze %dma_wait3A_466 : memref<1x320x64xf32, #tpu.memory_space<vmem>> -> memref<320x64xf32, #tpu.memory_space<vmem>>
          %dma_wait3A_468 = arith.constant 0 : i32
          %dma_wait3A_469 = tpu.memref_slice %arg4[%mul3A_2, %dma_wait3A_468] : memref<819200x64xf32, #tpu.memory_space<hbm>> -> memref<320x64xf32, #tpu.memory_space<hbm>>
          %dma_wait3A_470 = arith.constant 0 : i32
          %dma_wait3A_471 = tpu.memref_slice %arg4[%mul3A_2, %dma_wait3A_470] : memref<819200x64xf32, #tpu.memory_space<hbm>> -> memref<320x64xf32, #tpu.memory_space<hbm>>
          %dma_wait3A_472 = arith.constant 0 : i32
          %dma_wait3A_473 = arith.constant 0 : i32
          %dma_wait3A_474 = tpu.memref_slice %arg6[%dma_wait3A_463, %dma_wait3A_472, %dma_wait3A_473] : memref<5x320x64xf32, #tpu.memory_space<vmem>> -> memref<1x320x64xf32, #tpu.memory_space<vmem>>
          %dma_wait3A_475 = tpu.memref_squeeze %dma_wait3A_474 : memref<1x320x64xf32, #tpu.memory_space<vmem>> -> memref<320x64xf32, #tpu.memory_space<vmem>>
          tpu.wait_dma2 semaphore(%arg21 : memref<!tpu.dma_semaphore, #tpu.memory_space<semaphore_mem>>) src(%dma_wait3A_475 : memref<320x64xf32, #tpu.memory_space<vmem>>) dst(%dma_wait3A_471 : memref<320x64xf32, #tpu.memory_space<hbm>>)
        } else {
        }
        %dma_start3A_451 = arith.constant 4 : i32
        %dma_start3A_452 = arith.constant 4 : i32
        %dma_start3A_453 = arith.constant 0 : i32
        %dma_start3A_454 = arith.constant 0 : i32
        %dma_start3A_455 = tpu.memref_slice %arg6[%dma_start3A_452, %dma_start3A_453, %dma_start3A_454] : memref<5x320x64xf32, #tpu.memory_space<vmem>> -> memref<1x320x64xf32, #tpu.memory_space<vmem>>
        %dma_start3A_456 = tpu.memref_squeeze %dma_start3A_455 : memref<1x320x64xf32, #tpu.memory_space<vmem>> -> memref<320x64xf32, #tpu.memory_space<vmem>>
        %dma_start3A_457 = arith.constant 0 : i32
        %dma_start3A_458 = tpu.memref_slice %arg5[%dma_start3A_451, %dma_start3A_457] : memref<5x320xi32, #tpu.memory_space<vmem>> -> memref<1x320xi32, #tpu.memory_space<vmem>>
        %dma_start3A_459 = tpu.memref_squeeze %dma_start3A_458 : memref<1x320xi32, #tpu.memory_space<vmem>> -> memref<320xi32, #tpu.memory_space<vmem>>
        %dma_start3A_460 = arith.constant 0 : i32
        %dma_start3A_461 = arith.constant 0 : i32
        %dma_start3A_462 = tpu.memref_slice %arg3[%dma_start3A_460, %dma_start3A_461] : memref<1000000x64xf32, #tpu.memory_space<hbm>> -> memref<1000000x64xf32, #tpu.memory_space<hbm>>
        tpu.enqueue_indirect_dma source(%dma_start3A_462 : memref<1000000x64xf32, #tpu.memory_space<hbm>>) target(%dma_start3A_456 : memref<320x64xf32, #tpu.memory_space<vmem>>) offsets(%dma_start3A_459 : memref<320xi32, #tpu.memory_space<vmem>>) semaphore(%arg16 : memref<!tpu.dma_semaphore, #tpu.memory_space<semaphore_mem>>)
      } else {
      }
      %dma_wait3A_219 = arith.constant 0 : i32
      %dma_wait3A_220 = arith.constant 0 : i32
      %dma_wait3A_221 = arith.constant 0 : i32
      %dma_wait3A_222 = arith.constant 0 : i32
      %dma_wait3A_223 = tpu.memref_slice %arg6[%dma_wait3A_220, %dma_wait3A_221, %dma_wait3A_222] : memref<5x320x64xf32, #tpu.memory_space<vmem>> -> memref<1x320x64xf32, #tpu.memory_space<vmem>>
      %dma_wait3A_224 = tpu.memref_squeeze %dma_wait3A_223 : memref<1x320x64xf32, #tpu.memory_space<vmem>> -> memref<320x64xf32, #tpu.memory_space<vmem>>
      %dma_wait3A_225 = arith.constant 0 : i32
      %dma_wait3A_226 = tpu.memref_slice %arg5[%dma_wait3A_219, %dma_wait3A_225] : memref<5x320xi32, #tpu.memory_space<vmem>> -> memref<1x320xi32, #tpu.memory_space<vmem>>
      %dma_wait3A_227 = tpu.memref_squeeze %dma_wait3A_226 : memref<1x320xi32, #tpu.memory_space<vmem>> -> memref<320xi32, #tpu.memory_space<vmem>>
      %dma_wait3A_228 = arith.constant 0 : i32
      %dma_wait3A_229 = arith.constant 0 : i32
      %dma_wait3A_230 = tpu.memref_slice %arg3[%dma_wait3A_228, %dma_wait3A_229] : memref<1000000x64xf32, #tpu.memory_space<hbm>> -> memref<1000000x64xf32, #tpu.memory_space<hbm>>
      tpu.wait_indirect_dma semaphore(%arg12 : memref<!tpu.dma_semaphore, #tpu.memory_space<semaphore_mem>>) src(%dma_wait3A_230 : memref<1000000x64xf32, #tpu.memory_space<hbm>>) dst(%dma_wait3A_224 : memref<320x64xf32, #tpu.memory_space<vmem>>)
      %mul3A_231 = arith.constant 320 : i32
      %mul3A_232 = arith.muli %add3A_214, %mul3A_231 : i32
      %add3A_233 = arith.addi %mul3A_2, %mul3A_232 : i32
      %dma_start3A_234 = arith.constant 0 : i32
      %dma_start3A_235 = arith.constant 0 : i32
      %dma_start3A_236 = arith.constant 0 : i32
      %dma_start3A_237 = tpu.memref_slice %arg6[%dma_start3A_234, %dma_start3A_235, %dma_start3A_236] : memref<5x320x64xf32, #tpu.memory_space<vmem>> -> memref<1x320x64xf32, #tpu.memory_space<vmem>>
      %dma_start3A_238 = tpu.memref_squeeze %dma_start3A_237 : memref<1x320x64xf32, #tpu.memory_space<vmem>> -> memref<320x64xf32, #tpu.memory_space<vmem>>
      %dma_start3A_239 = arith.constant 0 : i32
      %dma_start3A_240 = tpu.memref_slice %arg4[%add3A_233, %dma_start3A_239] : memref<819200x64xf32, #tpu.memory_space<hbm>> -> memref<320x64xf32, #tpu.memory_space<hbm>>
      %dma_start3A_241 = arith.constant 0 : i32
      %dma_start3A_242 = tpu.memref_slice %arg4[%add3A_233, %dma_start3A_241] : memref<819200x64xf32, #tpu.memory_space<hbm>> -> memref<320x64xf32, #tpu.memory_space<hbm>>
      %dma_start3A_243 = arith.constant 0 : i32
      %dma_start3A_244 = arith.constant 0 : i32
      %dma_start3A_245 = tpu.memref_slice %arg6[%dma_start3A_234, %dma_start3A_243, %dma_start3A_244] : memref<5x320x64xf32, #tpu.memory_space<vmem>> -> memref<1x320x64xf32, #tpu.memory_space<vmem>>
      %dma_start3A_246 = tpu.memref_squeeze %dma_start3A_245 : memref<1x320x64xf32, #tpu.memory_space<vmem>> -> memref<320x64xf32, #tpu.memory_space<vmem>>
      tpu.enqueue_dma source(%dma_start3A_246 : memref<320x64xf32, #tpu.memory_space<vmem>>) target(%dma_start3A_242 : memref<320x64xf32, #tpu.memory_space<hbm>>) target_semaphore(%arg17 : memref<!tpu.dma_semaphore, #tpu.memory_space<semaphore_mem>>)
      %add3A_247 = arith.constant 5 : i32
      %add3A_248 = arith.addi %add3A_214, %add3A_247 : i32
      %lt3A_249 = arith.constant 80 : i32
      %lt3A_250 = arith.cmpi slt, %add3A_248, %lt3A_249 : i32
      %convert_element_type3A_251 = arith.extui %lt3A_250 : i1 to i32
      %cond3A_252 = arith.constant 0 : i32
      %cond3A_253 = arith.cmpi ne, %convert_element_type3A_251, %cond3A_252 : i32
      scf.if %cond3A_253 {
        %add3A_438 = arith.constant 5 : i32
        %add3A_439 = arith.addi %add3A_214, %add3A_438 : i32
        %mul3A_440 = arith.constant 320 : i32
        %mul3A_441 = arith.muli %add3A_439, %mul3A_440 : i32
        %add3A_442 = arith.addi %mul3A_2, %mul3A_441 : i32
        %dma_start3A_443 = arith.constant 0 : i32
        %dma_start3A_444 = arith.constant 0 : i32
        %dma_start3A_445 = tpu.memref_slice %arg5[%dma_start3A_443, %dma_start3A_444] : memref<5x320xi32, #tpu.memory_space<vmem>> -> memref<1x320xi32, #tpu.memory_space<vmem>>
        %dma_start3A_446 = tpu.memref_squeeze %dma_start3A_445 : memref<1x320xi32, #tpu.memory_space<vmem>> -> memref<320xi32, #tpu.memory_space<vmem>>
        %dma_start3A_447 = tpu.memref_slice %arg2[%add3A_442] : memref<819200xi32, #tpu.memory_space<hbm>> -> memref<320xi32, #tpu.memory_space<hbm>>
        %dma_start3A_448 = arith.constant 0 : i32
        %dma_start3A_449 = tpu.memref_slice %arg5[%dma_start3A_443, %dma_start3A_448] : memref<5x320xi32, #tpu.memory_space<vmem>> -> memref<1x320xi32, #tpu.memory_space<vmem>>
        %dma_start3A_450 = tpu.memref_squeeze %dma_start3A_449 : memref<1x320xi32, #tpu.memory_space<vmem>> -> memref<320xi32, #tpu.memory_space<vmem>>
        %dma_start3A_451 = tpu.memref_slice %arg2[%add3A_442] : memref<819200xi32, #tpu.memory_space<hbm>> -> memref<320xi32, #tpu.memory_space<hbm>>
        tpu.enqueue_dma source(%dma_start3A_451 : memref<320xi32, #tpu.memory_space<hbm>>) target(%dma_start3A_450 : memref<320xi32, #tpu.memory_space<vmem>>) target_semaphore(%arg7 : memref<!tpu.dma_semaphore, #tpu.memory_space<semaphore_mem>>)
      } else {
      }
      %mul3A_254 = arith.constant 5 : i32
      %mul3A_255 = arith.muli %scan3A_210, %mul3A_254 : i32
      %add3A_256 = arith.constant 1 : i32
      %add3A_257 = arith.addi %mul3A_255, %add3A_256 : i32
      %add3A_258 = arith.constant 4 : i32
      %add3A_259 = arith.addi %add3A_257, %add3A_258 : i32
      %lt3A_260 = arith.constant 80 : i32
      %lt3A_261 = arith.cmpi slt, %add3A_259, %lt3A_260 : i32
      %convert_element_type3A_262 = arith.extui %lt3A_261 : i1 to i32
      %cond3A_263 = arith.constant 0 : i32
      %cond3A_264 = arith.cmpi ne, %convert_element_type3A_262, %cond3A_263 : i32
      scf.if %cond3A_264 {
        %dma_wait3A_438 = arith.constant 0 : i32
        %dma_wait3A_439 = arith.constant 0 : i32
        %dma_wait3A_440 = tpu.memref_slice %arg5[%dma_wait3A_438, %dma_wait3A_439] : memref<5x320xi32, #tpu.memory_space<vmem>> -> memref<1x320xi32, #tpu.memory_space<vmem>>
        %dma_wait3A_441 = tpu.memref_squeeze %dma_wait3A_440 : memref<1x320xi32, #tpu.memory_space<vmem>> -> memref<320xi32, #tpu.memory_space<vmem>>
        %dma_wait3A_442 = tpu.memref_slice %arg2[%mul3A_2] : memref<819200xi32, #tpu.memory_space<hbm>> -> memref<320xi32, #tpu.memory_space<hbm>>
        %dma_wait3A_443 = arith.constant 0 : i32
        %dma_wait3A_444 = tpu.memref_slice %arg5[%dma_wait3A_438, %dma_wait3A_443] : memref<5x320xi32, #tpu.memory_space<vmem>> -> memref<1x320xi32, #tpu.memory_space<vmem>>
        %dma_wait3A_445 = tpu.memref_squeeze %dma_wait3A_444 : memref<1x320xi32, #tpu.memory_space<vmem>> -> memref<320xi32, #tpu.memory_space<vmem>>
        %dma_wait3A_446 = tpu.memref_slice %arg2[%mul3A_2] : memref<819200xi32, #tpu.memory_space<hbm>> -> memref<320xi32, #tpu.memory_space<hbm>>
        tpu.wait_dma2 semaphore(%arg7 : memref<!tpu.dma_semaphore, #tpu.memory_space<semaphore_mem>>) src(%dma_wait3A_446 : memref<320xi32, #tpu.memory_space<hbm>>) dst(%dma_wait3A_445 : memref<320xi32, #tpu.memory_space<vmem>>)
        %ge3A = arith.constant 1 : i32
        %ge3A_447 = arith.cmpi sge, %add3A_257, %ge3A : i32
        %convert_element_type3A_448 = arith.extui %ge3A_447 : i1 to i32
        %cond3A_449 = arith.constant 0 : i32
        %cond3A_450 = arith.cmpi ne, %convert_element_type3A_448, %cond3A_449 : i32
        scf.if %cond3A_450 {
          %dma_wait3A_463 = arith.constant 0 : i32
          %dma_wait3A_464 = arith.constant 0 : i32
          %dma_wait3A_465 = arith.constant 0 : i32
          %dma_wait3A_466 = tpu.memref_slice %arg6[%dma_wait3A_463, %dma_wait3A_464, %dma_wait3A_465] : memref<5x320x64xf32, #tpu.memory_space<vmem>> -> memref<1x320x64xf32, #tpu.memory_space<vmem>>
          %dma_wait3A_467 = tpu.memref_squeeze %dma_wait3A_466 : memref<1x320x64xf32, #tpu.memory_space<vmem>> -> memref<320x64xf32, #tpu.memory_space<vmem>>
          %dma_wait3A_468 = arith.constant 0 : i32
          %dma_wait3A_469 = tpu.memref_slice %arg4[%mul3A_2, %dma_wait3A_468] : memref<819200x64xf32, #tpu.memory_space<hbm>> -> memref<320x64xf32, #tpu.memory_space<hbm>>
          %dma_wait3A_470 = arith.constant 0 : i32
          %dma_wait3A_471 = tpu.memref_slice %arg4[%mul3A_2, %dma_wait3A_470] : memref<819200x64xf32, #tpu.memory_space<hbm>> -> memref<320x64xf32, #tpu.memory_space<hbm>>
          %dma_wait3A_472 = arith.constant 0 : i32
          %dma_wait3A_473 = arith.constant 0 : i32
          %dma_wait3A_474 = tpu.memref_slice %arg6[%dma_wait3A_463, %dma_wait3A_472, %dma_wait3A_473] : memref<5x320x64xf32, #tpu.memory_space<vmem>> -> memref<1x320x64xf32, #tpu.memory_space<vmem>>
          %dma_wait3A_475 = tpu.memref_squeeze %dma_wait3A_474 : memref<1x320x64xf32, #tpu.memory_space<vmem>> -> memref<320x64xf32, #tpu.memory_space<vmem>>
          tpu.wait_dma2 semaphore(%arg17 : memref<!tpu.dma_semaphore, #tpu.memory_space<semaphore_mem>>) src(%dma_wait3A_475 : memref<320x64xf32, #tpu.memory_space<vmem>>) dst(%dma_wait3A_471 : memref<320x64xf32, #tpu.memory_space<hbm>>)
        } else {
        }
        %dma_start3A_451 = arith.constant 0 : i32
        %dma_start3A_452 = arith.constant 0 : i32
        %dma_start3A_453 = arith.constant 0 : i32
        %dma_start3A_454 = arith.constant 0 : i32
        %dma_start3A_455 = tpu.memref_slice %arg6[%dma_start3A_452, %dma_start3A_453, %dma_start3A_454] : memref<5x320x64xf32, #tpu.memory_space<vmem>> -> memref<1x320x64xf32, #tpu.memory_space<vmem>>
        %dma_start3A_456 = tpu.memref_squeeze %dma_start3A_455 : memref<1x320x64xf32, #tpu.memory_space<vmem>> -> memref<320x64xf32, #tpu.memory_space<vmem>>
        %dma_start3A_457 = arith.constant 0 : i32
        %dma_start3A_458 = tpu.memref_slice %arg5[%dma_start3A_451, %dma_start3A_457] : memref<5x320xi32, #tpu.memory_space<vmem>> -> memref<1x320xi32, #tpu.memory_space<vmem>>
        %dma_start3A_459 = tpu.memref_squeeze %dma_start3A_458 : memref<1x320xi32, #tpu.memory_space<vmem>> -> memref<320xi32, #tpu.memory_space<vmem>>
        %dma_start3A_460 = arith.constant 0 : i32
        %dma_start3A_461 = arith.constant 0 : i32
        %dma_start3A_462 = tpu.memref_slice %arg3[%dma_start3A_460, %dma_start3A_461] : memref<1000000x64xf32, #tpu.memory_space<hbm>> -> memref<1000000x64xf32, #tpu.memory_space<hbm>>
        tpu.enqueue_indirect_dma source(%dma_start3A_462 : memref<1000000x64xf32, #tpu.memory_space<hbm>>) target(%dma_start3A_456 : memref<320x64xf32, #tpu.memory_space<vmem>>) offsets(%dma_start3A_459 : memref<320xi32, #tpu.memory_space<vmem>>) semaphore(%arg12 : memref<!tpu.dma_semaphore, #tpu.memory_space<semaphore_mem>>)
      } else {
      }
      %dma_wait3A_265 = arith.constant 1 : i32
      %dma_wait3A_266 = arith.constant 1 : i32
      %dma_wait3A_267 = arith.constant 0 : i32
      %dma_wait3A_268 = arith.constant 0 : i32
      %dma_wait3A_269 = tpu.memref_slice %arg6[%dma_wait3A_266, %dma_wait3A_267, %dma_wait3A_268] : memref<5x320x64xf32, #tpu.memory_space<vmem>> -> memref<1x320x64xf32, #tpu.memory_space<vmem>>
      %dma_wait3A_270 = tpu.memref_squeeze %dma_wait3A_269 : memref<1x320x64xf32, #tpu.memory_space<vmem>> -> memref<320x64xf32, #tpu.memory_space<vmem>>
      %dma_wait3A_271 = arith.constant 0 : i32
      %dma_wait3A_272 = tpu.memref_slice %arg5[%dma_wait3A_265, %dma_wait3A_271] : memref<5x320xi32, #tpu.memory_space<vmem>> -> memref<1x320xi32, #tpu.memory_space<vmem>>
      %dma_wait3A_273 = tpu.memref_squeeze %dma_wait3A_272 : memref<1x320xi32, #tpu.memory_space<vmem>> -> memref<320xi32, #tpu.memory_space<vmem>>
      %dma_wait3A_274 = arith.constant 0 : i32
      %dma_wait3A_275 = arith.constant 0 : i32
      %dma_wait3A_276 = tpu.memref_slice %arg3[%dma_wait3A_274, %dma_wait3A_275] : memref<1000000x64xf32, #tpu.memory_space<hbm>> -> memref<1000000x64xf32, #tpu.memory_space<hbm>>
      tpu.wait_indirect_dma semaphore(%arg13 : memref<!tpu.dma_semaphore, #tpu.memory_space<semaphore_mem>>) src(%dma_wait3A_276 : memref<1000000x64xf32, #tpu.memory_space<hbm>>) dst(%dma_wait3A_270 : memref<320x64xf32, #tpu.memory_space<vmem>>)
      %mul3A_277 = arith.constant 320 : i32
      %mul3A_278 = arith.muli %add3A_257, %mul3A_277 : i32
      %add3A_279 = arith.addi %mul3A_2, %mul3A_278 : i32
      %dma_start3A_280 = arith.constant 1 : i32
      %dma_start3A_281 = arith.constant 0 : i32
      %dma_start3A_282 = arith.constant 0 : i32
      %dma_start3A_283 = tpu.memref_slice %arg6[%dma_start3A_280, %dma_start3A_281, %dma_start3A_282] : memref<5x320x64xf32, #tpu.memory_space<vmem>> -> memref<1x320x64xf32, #tpu.memory_space<vmem>>
      %dma_start3A_284 = tpu.memref_squeeze %dma_start3A_283 : memref<1x320x64xf32, #tpu.memory_space<vmem>> -> memref<320x64xf32, #tpu.memory_space<vmem>>
      %dma_start3A_285 = arith.constant 0 : i32
      %dma_start3A_286 = tpu.memref_slice %arg4[%add3A_279, %dma_start3A_285] : memref<819200x64xf32, #tpu.memory_space<hbm>> -> memref<320x64xf32, #tpu.memory_space<hbm>>
      %dma_start3A_287 = arith.constant 0 : i32
      %dma_start3A_288 = tpu.memref_slice %arg4[%add3A_279, %dma_start3A_287] : memref<819200x64xf32, #tpu.memory_space<hbm>> -> memref<320x64xf32, #tpu.memory_space<hbm>>
      %dma_start3A_289 = arith.constant 0 : i32
      %dma_start3A_290 = arith.constant 0 : i32
      %dma_start3A_291 = tpu.memref_slice %arg6[%dma_start3A_280, %dma_start3A_289, %dma_start3A_290] : memref<5x320x64xf32, #tpu.memory_space<vmem>> -> memref<1x320x64xf32, #tpu.memory_space<vmem>>
      %dma_start3A_292 = tpu.memref_squeeze %dma_start3A_291 : memref<1x320x64xf32, #tpu.memory_space<vmem>> -> memref<320x64xf32, #tpu.memory_space<vmem>>
      tpu.enqueue_dma source(%dma_start3A_292 : memref<320x64xf32, #tpu.memory_space<vmem>>) target(%dma_start3A_288 : memref<320x64xf32, #tpu.memory_space<hbm>>) target_semaphore(%arg18 : memref<!tpu.dma_semaphore, #tpu.memory_space<semaphore_mem>>)
      %add3A_293 = arith.constant 5 : i32
      %add3A_294 = arith.addi %add3A_257, %add3A_293 : i32
      %lt3A_295 = arith.constant 80 : i32
      %lt3A_296 = arith.cmpi slt, %add3A_294, %lt3A_295 : i32
      %convert_element_type3A_297 = arith.extui %lt3A_296 : i1 to i32
      %cond3A_298 = arith.constant 0 : i32
      %cond3A_299 = arith.cmpi ne, %convert_element_type3A_297, %cond3A_298 : i32
      scf.if %cond3A_299 {
        %add3A_438 = arith.constant 5 : i32
        %add3A_439 = arith.addi %add3A_257, %add3A_438 : i32
        %mul3A_440 = arith.constant 320 : i32
        %mul3A_441 = arith.muli %add3A_439, %mul3A_440 : i32
        %add3A_442 = arith.addi %mul3A_2, %mul3A_441 : i32
        %dma_start3A_443 = arith.constant 1 : i32
        %dma_start3A_444 = arith.constant 0 : i32
        %dma_start3A_445 = tpu.memref_slice %arg5[%dma_start3A_443, %dma_start3A_444] : memref<5x320xi32, #tpu.memory_space<vmem>> -> memref<1x320xi32, #tpu.memory_space<vmem>>
        %dma_start3A_446 = tpu.memref_squeeze %dma_start3A_445 : memref<1x320xi32, #tpu.memory_space<vmem>> -> memref<320xi32, #tpu.memory_space<vmem>>
        %dma_start3A_447 = tpu.memref_slice %arg2[%add3A_442] : memref<819200xi32, #tpu.memory_space<hbm>> -> memref<320xi32, #tpu.memory_space<hbm>>
        %dma_start3A_448 = arith.constant 0 : i32
        %dma_start3A_449 = tpu.memref_slice %arg5[%dma_start3A_443, %dma_start3A_448] : memref<5x320xi32, #tpu.memory_space<vmem>> -> memref<1x320xi32, #tpu.memory_space<vmem>>
        %dma_start3A_450 = tpu.memref_squeeze %dma_start3A_449 : memref<1x320xi32, #tpu.memory_space<vmem>> -> memref<320xi32, #tpu.memory_space<vmem>>
        %dma_start3A_451 = tpu.memref_slice %arg2[%add3A_442] : memref<819200xi32, #tpu.memory_space<hbm>> -> memref<320xi32, #tpu.memory_space<hbm>>
        tpu.enqueue_dma source(%dma_start3A_451 : memref<320xi32, #tpu.memory_space<hbm>>) target(%dma_start3A_450 : memref<320xi32, #tpu.memory_space<vmem>>) target_semaphore(%arg8 : memref<!tpu.dma_semaphore, #tpu.memory_space<semaphore_mem>>)
      } else {
      }
      %mul3A_300 = arith.constant 5 : i32
      %mul3A_301 = arith.muli %scan3A_210, %mul3A_300 : i32
      %add3A_302 = arith.constant 2 : i32
      %add3A_303 = arith.addi %mul3A_301, %add3A_302 : i32
      %add3A_304 = arith.constant 4 : i32
      %add3A_305 = arith.addi %add3A_303, %add3A_304 : i32
      %lt3A_306 = arith.constant 80 : i32
      %lt3A_307 = arith.cmpi slt, %add3A_305, %lt3A_306 : i32
      %convert_element_type3A_308 = arith.extui %lt3A_307 : i1 to i32
      %cond3A_309 = arith.constant 0 : i32
      %cond3A_310 = arith.cmpi ne, %convert_element_type3A_308, %cond3A_309 : i32
      scf.if %cond3A_310 {
        %dma_wait3A_438 = arith.constant 1 : i32
        %dma_wait3A_439 = arith.constant 0 : i32
        %dma_wait3A_440 = tpu.memref_slice %arg5[%dma_wait3A_438, %dma_wait3A_439] : memref<5x320xi32, #tpu.memory_space<vmem>> -> memref<1x320xi32, #tpu.memory_space<vmem>>
        %dma_wait3A_441 = tpu.memref_squeeze %dma_wait3A_440 : memref<1x320xi32, #tpu.memory_space<vmem>> -> memref<320xi32, #tpu.memory_space<vmem>>
        %dma_wait3A_442 = tpu.memref_slice %arg2[%mul3A_2] : memref<819200xi32, #tpu.memory_space<hbm>> -> memref<320xi32, #tpu.memory_space<hbm>>
        %dma_wait3A_443 = arith.constant 0 : i32
        %dma_wait3A_444 = tpu.memref_slice %arg5[%dma_wait3A_438, %dma_wait3A_443] : memref<5x320xi32, #tpu.memory_space<vmem>> -> memref<1x320xi32, #tpu.memory_space<vmem>>
        %dma_wait3A_445 = tpu.memref_squeeze %dma_wait3A_444 : memref<1x320xi32, #tpu.memory_space<vmem>> -> memref<320xi32, #tpu.memory_space<vmem>>
        %dma_wait3A_446 = tpu.memref_slice %arg2[%mul3A_2] : memref<819200xi32, #tpu.memory_space<hbm>> -> memref<320xi32, #tpu.memory_space<hbm>>
        tpu.wait_dma2 semaphore(%arg8 : memref<!tpu.dma_semaphore, #tpu.memory_space<semaphore_mem>>) src(%dma_wait3A_446 : memref<320xi32, #tpu.memory_space<hbm>>) dst(%dma_wait3A_445 : memref<320xi32, #tpu.memory_space<vmem>>)
        %ge3A = arith.constant 1 : i32
        %ge3A_447 = arith.cmpi sge, %add3A_303, %ge3A : i32
        %convert_element_type3A_448 = arith.extui %ge3A_447 : i1 to i32
        %cond3A_449 = arith.constant 0 : i32
        %cond3A_450 = arith.cmpi ne, %convert_element_type3A_448, %cond3A_449 : i32
        scf.if %cond3A_450 {
          %dma_wait3A_463 = arith.constant 1 : i32
          %dma_wait3A_464 = arith.constant 0 : i32
          %dma_wait3A_465 = arith.constant 0 : i32
          %dma_wait3A_466 = tpu.memref_slice %arg6[%dma_wait3A_463, %dma_wait3A_464, %dma_wait3A_465] : memref<5x320x64xf32, #tpu.memory_space<vmem>> -> memref<1x320x64xf32, #tpu.memory_space<vmem>>
          %dma_wait3A_467 = tpu.memref_squeeze %dma_wait3A_466 : memref<1x320x64xf32, #tpu.memory_space<vmem>> -> memref<320x64xf32, #tpu.memory_space<vmem>>
          %dma_wait3A_468 = arith.constant 0 : i32
          %dma_wait3A_469 = tpu.memref_slice %arg4[%mul3A_2, %dma_wait3A_468] : memref<819200x64xf32, #tpu.memory_space<hbm>> -> memref<320x64xf32, #tpu.memory_space<hbm>>
          %dma_wait3A_470 = arith.constant 0 : i32
          %dma_wait3A_471 = tpu.memref_slice %arg4[%mul3A_2, %dma_wait3A_470] : memref<819200x64xf32, #tpu.memory_space<hbm>> -> memref<320x64xf32, #tpu.memory_space<hbm>>
          %dma_wait3A_472 = arith.constant 0 : i32
          %dma_wait3A_473 = arith.constant 0 : i32
          %dma_wait3A_474 = tpu.memref_slice %arg6[%dma_wait3A_463, %dma_wait3A_472, %dma_wait3A_473] : memref<5x320x64xf32, #tpu.memory_space<vmem>> -> memref<1x320x64xf32, #tpu.memory_space<vmem>>
          %dma_wait3A_475 = tpu.memref_squeeze %dma_wait3A_474 : memref<1x320x64xf32, #tpu.memory_space<vmem>> -> memref<320x64xf32, #tpu.memory_space<vmem>>
          tpu.wait_dma2 semaphore(%arg18 : memref<!tpu.dma_semaphore, #tpu.memory_space<semaphore_mem>>) src(%dma_wait3A_475 : memref<320x64xf32, #tpu.memory_space<vmem>>) dst(%dma_wait3A_471 : memref<320x64xf32, #tpu.memory_space<hbm>>)
        } else {
        }
        %dma_start3A_451 = arith.constant 1 : i32
        %dma_start3A_452 = arith.constant 1 : i32
        %dma_start3A_453 = arith.constant 0 : i32
        %dma_start3A_454 = arith.constant 0 : i32
        %dma_start3A_455 = tpu.memref_slice %arg6[%dma_start3A_452, %dma_start3A_453, %dma_start3A_454] : memref<5x320x64xf32, #tpu.memory_space<vmem>> -> memref<1x320x64xf32, #tpu.memory_space<vmem>>
        %dma_start3A_456 = tpu.memref_squeeze %dma_start3A_455 : memref<1x320x64xf32, #tpu.memory_space<vmem>> -> memref<320x64xf32, #tpu.memory_space<vmem>>
        %dma_start3A_457 = arith.constant 0 : i32
        %dma_start3A_458 = tpu.memref_slice %arg5[%dma_start3A_451, %dma_start3A_457] : memref<5x320xi32, #tpu.memory_space<vmem>> -> memref<1x320xi32, #tpu.memory_space<vmem>>
        %dma_start3A_459 = tpu.memref_squeeze %dma_start3A_458 : memref<1x320xi32, #tpu.memory_space<vmem>> -> memref<320xi32, #tpu.memory_space<vmem>>
        %dma_start3A_460 = arith.constant 0 : i32
        %dma_start3A_461 = arith.constant 0 : i32
        %dma_start3A_462 = tpu.memref_slice %arg3[%dma_start3A_460, %dma_start3A_461] : memref<1000000x64xf32, #tpu.memory_space<hbm>> -> memref<1000000x64xf32, #tpu.memory_space<hbm>>
        tpu.enqueue_indirect_dma source(%dma_start3A_462 : memref<1000000x64xf32, #tpu.memory_space<hbm>>) target(%dma_start3A_456 : memref<320x64xf32, #tpu.memory_space<vmem>>) offsets(%dma_start3A_459 : memref<320xi32, #tpu.memory_space<vmem>>) semaphore(%arg13 : memref<!tpu.dma_semaphore, #tpu.memory_space<semaphore_mem>>)
      } else {
      }
      %dma_wait3A_311 = arith.constant 2 : i32
      %dma_wait3A_312 = arith.constant 2 : i32
      %dma_wait3A_313 = arith.constant 0 : i32
      %dma_wait3A_314 = arith.constant 0 : i32
      %dma_wait3A_315 = tpu.memref_slice %arg6[%dma_wait3A_312, %dma_wait3A_313, %dma_wait3A_314] : memref<5x320x64xf32, #tpu.memory_space<vmem>> -> memref<1x320x64xf32, #tpu.memory_space<vmem>>
      %dma_wait3A_316 = tpu.memref_squeeze %dma_wait3A_315 : memref<1x320x64xf32, #tpu.memory_space<vmem>> -> memref<320x64xf32, #tpu.memory_space<vmem>>
      %dma_wait3A_317 = arith.constant 0 : i32
      %dma_wait3A_318 = tpu.memref_slice %arg5[%dma_wait3A_311, %dma_wait3A_317] : memref<5x320xi32, #tpu.memory_space<vmem>> -> memref<1x320xi32, #tpu.memory_space<vmem>>
      %dma_wait3A_319 = tpu.memref_squeeze %dma_wait3A_318 : memref<1x320xi32, #tpu.memory_space<vmem>> -> memref<320xi32, #tpu.memory_space<vmem>>
      %dma_wait3A_320 = arith.constant 0 : i32
      %dma_wait3A_321 = arith.constant 0 : i32
      %dma_wait3A_322 = tpu.memref_slice %arg3[%dma_wait3A_320, %dma_wait3A_321] : memref<1000000x64xf32, #tpu.memory_space<hbm>> -> memref<1000000x64xf32, #tpu.memory_space<hbm>>
      tpu.wait_indirect_dma semaphore(%arg14 : memref<!tpu.dma_semaphore, #tpu.memory_space<semaphore_mem>>) src(%dma_wait3A_322 : memref<1000000x64xf32, #tpu.memory_space<hbm>>) dst(%dma_wait3A_316 : memref<320x64xf32, #tpu.memory_space<vmem>>)
      %mul3A_323 = arith.constant 320 : i32
      %mul3A_324 = arith.muli %add3A_303, %mul3A_323 : i32
      %add3A_325 = arith.addi %mul3A_2, %mul3A_324 : i32
      %dma_start3A_326 = arith.constant 2 : i32
      %dma_start3A_327 = arith.constant 0 : i32
      %dma_start3A_328 = arith.constant 0 : i32
      %dma_start3A_329 = tpu.memref_slice %arg6[%dma_start3A_326, %dma_start3A_327, %dma_start3A_328] : memref<5x320x64xf32, #tpu.memory_space<vmem>> -> memref<1x320x64xf32, #tpu.memory_space<vmem>>
      %dma_start3A_330 = tpu.memref_squeeze %dma_start3A_329 : memref<1x320x64xf32, #tpu.memory_space<vmem>> -> memref<320x64xf32, #tpu.memory_space<vmem>>
      %dma_start3A_331 = arith.constant 0 : i32
      %dma_start3A_332 = tpu.memref_slice %arg4[%add3A_325, %dma_start3A_331] : memref<819200x64xf32, #tpu.memory_space<hbm>> -> memref<320x64xf32, #tpu.memory_space<hbm>>
      %dma_start3A_333 = arith.constant 0 : i32
      %dma_start3A_334 = tpu.memref_slice %arg4[%add3A_325, %dma_start3A_333] : memref<819200x64xf32, #tpu.memory_space<hbm>> -> memref<320x64xf32, #tpu.memory_space<hbm>>
      %dma_start3A_335 = arith.constant 0 : i32
      %dma_start3A_336 = arith.constant 0 : i32
      %dma_start3A_337 = tpu.memref_slice %arg6[%dma_start3A_326, %dma_start3A_335, %dma_start3A_336] : memref<5x320x64xf32, #tpu.memory_space<vmem>> -> memref<1x320x64xf32, #tpu.memory_space<vmem>>
      %dma_start3A_338 = tpu.memref_squeeze %dma_start3A_337 : memref<1x320x64xf32, #tpu.memory_space<vmem>> -> memref<320x64xf32, #tpu.memory_space<vmem>>
      tpu.enqueue_dma source(%dma_start3A_338 : memref<320x64xf32, #tpu.memory_space<vmem>>) target(%dma_start3A_334 : memref<320x64xf32, #tpu.memory_space<hbm>>) target_semaphore(%arg19 : memref<!tpu.dma_semaphore, #tpu.memory_space<semaphore_mem>>)
      %add3A_339 = arith.constant 5 : i32
      %add3A_340 = arith.addi %add3A_303, %add3A_339 : i32
      %lt3A_341 = arith.constant 80 : i32
      %lt3A_342 = arith.cmpi slt, %add3A_340, %lt3A_341 : i32
      %convert_element_type3A_343 = arith.extui %lt3A_342 : i1 to i32
      %cond3A_344 = arith.constant 0 : i32
      %cond3A_345 = arith.cmpi ne, %convert_element_type3A_343, %cond3A_344 : i32
      scf.if %cond3A_345 {
        %add3A_438 = arith.constant 5 : i32
        %add3A_439 = arith.addi %add3A_303, %add3A_438 : i32
        %mul3A_440 = arith.constant 320 : i32
        %mul3A_441 = arith.muli %add3A_439, %mul3A_440 : i32
        %add3A_442 = arith.addi %mul3A_2, %mul3A_441 : i32
        %dma_start3A_443 = arith.constant 2 : i32
        %dma_start3A_444 = arith.constant 0 : i32
        %dma_start3A_445 = tpu.memref_slice %arg5[%dma_start3A_443, %dma_start3A_444] : memref<5x320xi32, #tpu.memory_space<vmem>> -> memref<1x320xi32, #tpu.memory_space<vmem>>
        %dma_start3A_446 = tpu.memref_squeeze %dma_start3A_445 : memref<1x320xi32, #tpu.memory_space<vmem>> -> memref<320xi32, #tpu.memory_space<vmem>>
        %dma_start3A_447 = tpu.memref_slice %arg2[%add3A_442] : memref<819200xi32, #tpu.memory_space<hbm>> -> memref<320xi32, #tpu.memory_space<hbm>>
        %dma_start3A_448 = arith.constant 0 : i32
        %dma_start3A_449 = tpu.memref_slice %arg5[%dma_start3A_443, %dma_start3A_448] : memref<5x320xi32, #tpu.memory_space<vmem>> -> memref<1x320xi32, #tpu.memory_space<vmem>>
        %dma_start3A_450 = tpu.memref_squeeze %dma_start3A_449 : memref<1x320xi32, #tpu.memory_space<vmem>> -> memref<320xi32, #tpu.memory_space<vmem>>
        %dma_start3A_451 = tpu.memref_slice %arg2[%add3A_442] : memref<819200xi32, #tpu.memory_space<hbm>> -> memref<320xi32, #tpu.memory_space<hbm>>
        tpu.enqueue_dma source(%dma_start3A_451 : memref<320xi32, #tpu.memory_space<hbm>>) target(%dma_start3A_450 : memref<320xi32, #tpu.memory_space<vmem>>) target_semaphore(%arg9 : memref<!tpu.dma_semaphore, #tpu.memory_space<semaphore_mem>>)
      } else {
      }
      %mul3A_346 = arith.constant 5 : i32
      %mul3A_347 = arith.muli %scan3A_210, %mul3A_346 : i32
      %add3A_348 = arith.constant 3 : i32
      %add3A_349 = arith.addi %mul3A_347, %add3A_348 : i32
      %add3A_350 = arith.constant 4 : i32
      %add3A_351 = arith.addi %add3A_349, %add3A_350 : i32
      %lt3A_352 = arith.constant 80 : i32
      %lt3A_353 = arith.cmpi slt, %add3A_351, %lt3A_352 : i32
      %convert_element_type3A_354 = arith.extui %lt3A_353 : i1 to i32
      %cond3A_355 = arith.constant 0 : i32
      %cond3A_356 = arith.cmpi ne, %convert_element_type3A_354, %cond3A_355 : i32
      scf.if %cond3A_356 {
        %dma_wait3A_438 = arith.constant 2 : i32
        %dma_wait3A_439 = arith.constant 0 : i32
        %dma_wait3A_440 = tpu.memref_slice %arg5[%dma_wait3A_438, %dma_wait3A_439] : memref<5x320xi32, #tpu.memory_space<vmem>> -> memref<1x320xi32, #tpu.memory_space<vmem>>
        %dma_wait3A_441 = tpu.memref_squeeze %dma_wait3A_440 : memref<1x320xi32, #tpu.memory_space<vmem>> -> memref<320xi32, #tpu.memory_space<vmem>>
        %dma_wait3A_442 = tpu.memref_slice %arg2[%mul3A_2] : memref<819200xi32, #tpu.memory_space<hbm>> -> memref<320xi32, #tpu.memory_space<hbm>>
        %dma_wait3A_443 = arith.constant 0 : i32
        %dma_wait3A_444 = tpu.memref_slice %arg5[%dma_wait3A_438, %dma_wait3A_443] : memref<5x320xi32, #tpu.memory_space<vmem>> -> memref<1x320xi32, #tpu.memory_space<vmem>>
        %dma_wait3A_445 = tpu.memref_squeeze %dma_wait3A_444 : memref<1x320xi32, #tpu.memory_space<vmem>> -> memref<320xi32, #tpu.memory_space<vmem>>
        %dma_wait3A_446 = tpu.memref_slice %arg2[%mul3A_2] : memref<819200xi32, #tpu.memory_space<hbm>> -> memref<320xi32, #tpu.memory_space<hbm>>
        tpu.wait_dma2 semaphore(%arg9 : memref<!tpu.dma_semaphore, #tpu.memory_space<semaphore_mem>>) src(%dma_wait3A_446 : memref<320xi32, #tpu.memory_space<hbm>>) dst(%dma_wait3A_445 : memref<320xi32, #tpu.memory_space<vmem>>)
        %ge3A = arith.constant 1 : i32
        %ge3A_447 = arith.cmpi sge, %add3A_349, %ge3A : i32
        %convert_element_type3A_448 = arith.extui %ge3A_447 : i1 to i32
        %cond3A_449 = arith.constant 0 : i32
        %cond3A_450 = arith.cmpi ne, %convert_element_type3A_448, %cond3A_449 : i32
        scf.if %cond3A_450 {
          %dma_wait3A_463 = arith.constant 2 : i32
          %dma_wait3A_464 = arith.constant 0 : i32
          %dma_wait3A_465 = arith.constant 0 : i32
          %dma_wait3A_466 = tpu.memref_slice %arg6[%dma_wait3A_463, %dma_wait3A_464, %dma_wait3A_465] : memref<5x320x64xf32, #tpu.memory_space<vmem>> -> memref<1x320x64xf32, #tpu.memory_space<vmem>>
          %dma_wait3A_467 = tpu.memref_squeeze %dma_wait3A_466 : memref<1x320x64xf32, #tpu.memory_space<vmem>> -> memref<320x64xf32, #tpu.memory_space<vmem>>
          %dma_wait3A_468 = arith.constant 0 : i32
          %dma_wait3A_469 = tpu.memref_slice %arg4[%mul3A_2, %dma_wait3A_468] : memref<819200x64xf32, #tpu.memory_space<hbm>> -> memref<320x64xf32, #tpu.memory_space<hbm>>
          %dma_wait3A_470 = arith.constant 0 : i32
          %dma_wait3A_471 = tpu.memref_slice %arg4[%mul3A_2, %dma_wait3A_470] : memref<819200x64xf32, #tpu.memory_space<hbm>> -> memref<320x64xf32, #tpu.memory_space<hbm>>
          %dma_wait3A_472 = arith.constant 0 : i32
          %dma_wait3A_473 = arith.constant 0 : i32
          %dma_wait3A_474 = tpu.memref_slice %arg6[%dma_wait3A_463, %dma_wait3A_472, %dma_wait3A_473] : memref<5x320x64xf32, #tpu.memory_space<vmem>> -> memref<1x320x64xf32, #tpu.memory_space<vmem>>
          %dma_wait3A_475 = tpu.memref_squeeze %dma_wait3A_474 : memref<1x320x64xf32, #tpu.memory_space<vmem>> -> memref<320x64xf32, #tpu.memory_space<vmem>>
          tpu.wait_dma2 semaphore(%arg19 : memref<!tpu.dma_semaphore, #tpu.memory_space<semaphore_mem>>) src(%dma_wait3A_475 : memref<320x64xf32, #tpu.memory_space<vmem>>) dst(%dma_wait3A_471 : memref<320x64xf32, #tpu.memory_space<hbm>>)
        } else {
        }
        %dma_start3A_451 = arith.constant 2 : i32
        %dma_start3A_452 = arith.constant 2 : i32
        %dma_start3A_453 = arith.constant 0 : i32
        %dma_start3A_454 = arith.constant 0 : i32
        %dma_start3A_455 = tpu.memref_slice %arg6[%dma_start3A_452, %dma_start3A_453, %dma_start3A_454] : memref<5x320x64xf32, #tpu.memory_space<vmem>> -> memref<1x320x64xf32, #tpu.memory_space<vmem>>
        %dma_start3A_456 = tpu.memref_squeeze %dma_start3A_455 : memref<1x320x64xf32, #tpu.memory_space<vmem>> -> memref<320x64xf32, #tpu.memory_space<vmem>>
        %dma_start3A_457 = arith.constant 0 : i32
        %dma_start3A_458 = tpu.memref_slice %arg5[%dma_start3A_451, %dma_start3A_457] : memref<5x320xi32, #tpu.memory_space<vmem>> -> memref<1x320xi32, #tpu.memory_space<vmem>>
        %dma_start3A_459 = tpu.memref_squeeze %dma_start3A_458 : memref<1x320xi32, #tpu.memory_space<vmem>> -> memref<320xi32, #tpu.memory_space<vmem>>
        %dma_start3A_460 = arith.constant 0 : i32
        %dma_start3A_461 = arith.constant 0 : i32
        %dma_start3A_462 = tpu.memref_slice %arg3[%dma_start3A_460, %dma_start3A_461] : memref<1000000x64xf32, #tpu.memory_space<hbm>> -> memref<1000000x64xf32, #tpu.memory_space<hbm>>
        tpu.enqueue_indirect_dma source(%dma_start3A_462 : memref<1000000x64xf32, #tpu.memory_space<hbm>>) target(%dma_start3A_456 : memref<320x64xf32, #tpu.memory_space<vmem>>) offsets(%dma_start3A_459 : memref<320xi32, #tpu.memory_space<vmem>>) semaphore(%arg14 : memref<!tpu.dma_semaphore, #tpu.memory_space<semaphore_mem>>)
      } else {
      }
      %dma_wait3A_357 = arith.constant 3 : i32
      %dma_wait3A_358 = arith.constant 3 : i32
      %dma_wait3A_359 = arith.constant 0 : i32
      %dma_wait3A_360 = arith.constant 0 : i32
      %dma_wait3A_361 = tpu.memref_slice %arg6[%dma_wait3A_358, %dma_wait3A_359, %dma_wait3A_360] : memref<5x320x64xf32, #tpu.memory_space<vmem>> -> memref<1x320x64xf32, #tpu.memory_space<vmem>>
      %dma_wait3A_362 = tpu.memref_squeeze %dma_wait3A_361 : memref<1x320x64xf32, #tpu.memory_space<vmem>> -> memref<320x64xf32, #tpu.memory_space<vmem>>
      %dma_wait3A_363 = arith.constant 0 : i32
      %dma_wait3A_364 = tpu.memref_slice %arg5[%dma_wait3A_357, %dma_wait3A_363] : memref<5x320xi32, #tpu.memory_space<vmem>> -> memref<1x320xi32, #tpu.memory_space<vmem>>
      %dma_wait3A_365 = tpu.memref_squeeze %dma_wait3A_364 : memref<1x320xi32, #tpu.memory_space<vmem>> -> memref<320xi32, #tpu.memory_space<vmem>>
      %dma_wait3A_366 = arith.constant 0 : i32
      %dma_wait3A_367 = arith.constant 0 : i32
      %dma_wait3A_368 = tpu.memref_slice %arg3[%dma_wait3A_366, %dma_wait3A_367] : memref<1000000x64xf32, #tpu.memory_space<hbm>> -> memref<1000000x64xf32, #tpu.memory_space<hbm>>
      tpu.wait_indirect_dma semaphore(%arg15 : memref<!tpu.dma_semaphore, #tpu.memory_space<semaphore_mem>>) src(%dma_wait3A_368 : memref<1000000x64xf32, #tpu.memory_space<hbm>>) dst(%dma_wait3A_362 : memref<320x64xf32, #tpu.memory_space<vmem>>)
      %mul3A_369 = arith.constant 320 : i32
      %mul3A_370 = arith.muli %add3A_349, %mul3A_369 : i32
      %add3A_371 = arith.addi %mul3A_2, %mul3A_370 : i32
      %dma_start3A_372 = arith.constant 3 : i32
      %dma_start3A_373 = arith.constant 0 : i32
      %dma_start3A_374 = arith.constant 0 : i32
      %dma_start3A_375 = tpu.memref_slice %arg6[%dma_start3A_372, %dma_start3A_373, %dma_start3A_374] : memref<5x320x64xf32, #tpu.memory_space<vmem>> -> memref<1x320x64xf32, #tpu.memory_space<vmem>>
      %dma_start3A_376 = tpu.memref_squeeze %dma_start3A_375 : memref<1x320x64xf32, #tpu.memory_space<vmem>> -> memref<320x64xf32, #tpu.memory_space<vmem>>
      %dma_start3A_377 = arith.constant 0 : i32
      %dma_start3A_378 = tpu.memref_slice %arg4[%add3A_371, %dma_start3A_377] : memref<819200x64xf32, #tpu.memory_space<hbm>> -> memref<320x64xf32, #tpu.memory_space<hbm>>
      %dma_start3A_379 = arith.constant 0 : i32
      %dma_start3A_380 = tpu.memref_slice %arg4[%add3A_371, %dma_start3A_379] : memref<819200x64xf32, #tpu.memory_space<hbm>> -> memref<320x64xf32, #tpu.memory_space<hbm>>
      %dma_start3A_381 = arith.constant 0 : i32
      %dma_start3A_382 = arith.constant 0 : i32
      %dma_start3A_383 = tpu.memref_slice %arg6[%dma_start3A_372, %dma_start3A_381, %dma_start3A_382] : memref<5x320x64xf32, #tpu.memory_space<vmem>> -> memref<1x320x64xf32, #tpu.memory_space<vmem>>
      %dma_start3A_384 = tpu.memref_squeeze %dma_start3A_383 : memref<1x320x64xf32, #tpu.memory_space<vmem>> -> memref<320x64xf32, #tpu.memory_space<vmem>>
      tpu.enqueue_dma source(%dma_start3A_384 : memref<320x64xf32, #tpu.memory_space<vmem>>) target(%dma_start3A_380 : memref<320x64xf32, #tpu.memory_space<hbm>>) target_semaphore(%arg20 : memref<!tpu.dma_semaphore, #tpu.memory_space<semaphore_mem>>)
      %add3A_385 = arith.constant 5 : i32
      %add3A_386 = arith.addi %add3A_349, %add3A_385 : i32
      %lt3A_387 = arith.constant 80 : i32
      %lt3A_388 = arith.cmpi slt, %add3A_386, %lt3A_387 : i32
      %convert_element_type3A_389 = arith.extui %lt3A_388 : i1 to i32
      %cond3A_390 = arith.constant 0 : i32
      %cond3A_391 = arith.cmpi ne, %convert_element_type3A_389, %cond3A_390 : i32
      scf.if %cond3A_391 {
        %add3A_438 = arith.constant 5 : i32
        %add3A_439 = arith.addi %add3A_349, %add3A_438 : i32
        %mul3A_440 = arith.constant 320 : i32
        %mul3A_441 = arith.muli %add3A_439, %mul3A_440 : i32
        %add3A_442 = arith.addi %mul3A_2, %mul3A_441 : i32
        %dma_start3A_443 = arith.constant 3 : i32
        %dma_start3A_444 = arith.constant 0 : i32
        %dma_start3A_445 = tpu.memref_slice %arg5[%dma_start3A_443, %dma_start3A_444] : memref<5x320xi32, #tpu.memory_space<vmem>> -> memref<1x320xi32, #tpu.memory_space<vmem>>
        %dma_start3A_446 = tpu.memref_squeeze %dma_start3A_445 : memref<1x320xi32, #tpu.memory_space<vmem>> -> memref<320xi32, #tpu.memory_space<vmem>>
        %dma_start3A_447 = tpu.memref_slice %arg2[%add3A_442] : memref<819200xi32, #tpu.memory_space<hbm>> -> memref<320xi32, #tpu.memory_space<hbm>>
        %dma_start3A_448 = arith.constant 0 : i32
        %dma_start3A_449 = tpu.memref_slice %arg5[%dma_start3A_443, %dma_start3A_448] : memref<5x320xi32, #tpu.memory_space<vmem>> -> memref<1x320xi32, #tpu.memory_space<vmem>>
        %dma_start3A_450 = tpu.memref_squeeze %dma_start3A_449 : memref<1x320xi32, #tpu.memory_space<vmem>> -> memref<320xi32, #tpu.memory_space<vmem>>
        %dma_start3A_451 = tpu.memref_slice %arg2[%add3A_442] : memref<819200xi32, #tpu.memory_space<hbm>> -> memref<320xi32, #tpu.memory_space<hbm>>
        tpu.enqueue_dma source(%dma_start3A_451 : memref<320xi32, #tpu.memory_space<hbm>>) target(%dma_start3A_450 : memref<320xi32, #tpu.memory_space<vmem>>) target_semaphore(%arg10 : memref<!tpu.dma_semaphore, #tpu.memory_space<semaphore_mem>>)
      } else {
      }
      %mul3A_392 = arith.constant 5 : i32
      %mul3A_393 = arith.muli %scan3A_210, %mul3A_392 : i32
      %add3A_394 = arith.constant 4 : i32
      %add3A_395 = arith.addi %mul3A_393, %add3A_394 : i32
      %add3A_396 = arith.constant 4 : i32
      %add3A_397 = arith.addi %add3A_395, %add3A_396 : i32
      %lt3A_398 = arith.constant 80 : i32
      %lt3A_399 = arith.cmpi slt, %add3A_397, %lt3A_398 : i32
      %convert_element_type3A_400 = arith.extui %lt3A_399 : i1 to i32
      %cond3A_401 = arith.constant 0 : i32
      %cond3A_402 = arith.cmpi ne, %convert_element_type3A_400, %cond3A_401 : i32
      scf.if %cond3A_402 {
        %dma_wait3A_438 = arith.constant 3 : i32
        %dma_wait3A_439 = arith.constant 0 : i32
        %dma_wait3A_440 = tpu.memref_slice %arg5[%dma_wait3A_438, %dma_wait3A_439] : memref<5x320xi32, #tpu.memory_space<vmem>> -> memref<1x320xi32, #tpu.memory_space<vmem>>
        %dma_wait3A_441 = tpu.memref_squeeze %dma_wait3A_440 : memref<1x320xi32, #tpu.memory_space<vmem>> -> memref<320xi32, #tpu.memory_space<vmem>>
        %dma_wait3A_442 = tpu.memref_slice %arg2[%mul3A_2] : memref<819200xi32, #tpu.memory_space<hbm>> -> memref<320xi32, #tpu.memory_space<hbm>>
        %dma_wait3A_443 = arith.constant 0 : i32
        %dma_wait3A_444 = tpu.memref_slice %arg5[%dma_wait3A_438, %dma_wait3A_443] : memref<5x320xi32, #tpu.memory_space<vmem>> -> memref<1x320xi32, #tpu.memory_space<vmem>>
        %dma_wait3A_445 = tpu.memref_squeeze %dma_wait3A_444 : memref<1x320xi32, #tpu.memory_space<vmem>> -> memref<320xi32, #tpu.memory_space<vmem>>
        %dma_wait3A_446 = tpu.memref_slice %arg2[%mul3A_2] : memref<819200xi32, #tpu.memory_space<hbm>> -> memref<320xi32, #tpu.memory_space<hbm>>
        tpu.wait_dma2 semaphore(%arg10 : memref<!tpu.dma_semaphore, #tpu.memory_space<semaphore_mem>>) src(%dma_wait3A_446 : memref<320xi32, #tpu.memory_space<hbm>>) dst(%dma_wait3A_445 : memref<320xi32, #tpu.memory_space<vmem>>)
        %ge3A = arith.constant 1 : i32
        %ge3A_447 = arith.cmpi sge, %add3A_395, %ge3A : i32
        %convert_element_type3A_448 = arith.extui %ge3A_447 : i1 to i32
        %cond3A_449 = arith.constant 0 : i32
        %cond3A_450 = arith.cmpi ne, %convert_element_type3A_448, %cond3A_449 : i32
        scf.if %cond3A_450 {
          %dma_wait3A_463 = arith.constant 3 : i32
          %dma_wait3A_464 = arith.constant 0 : i32
          %dma_wait3A_465 = arith.constant 0 : i32
          %dma_wait3A_466 = tpu.memref_slice %arg6[%dma_wait3A_463, %dma_wait3A_464, %dma_wait3A_465] : memref<5x320x64xf32, #tpu.memory_space<vmem>> -> memref<1x320x64xf32, #tpu.memory_space<vmem>>
          %dma_wait3A_467 = tpu.memref_squeeze %dma_wait3A_466 : memref<1x320x64xf32, #tpu.memory_space<vmem>> -> memref<320x64xf32, #tpu.memory_space<vmem>>
          %dma_wait3A_468 = arith.constant 0 : i32
          %dma_wait3A_469 = tpu.memref_slice %arg4[%mul3A_2, %dma_wait3A_468] : memref<819200x64xf32, #tpu.memory_space<hbm>> -> memref<320x64xf32, #tpu.memory_space<hbm>>
          %dma_wait3A_470 = arith.constant 0 : i32
          %dma_wait3A_471 = tpu.memref_slice %arg4[%mul3A_2, %dma_wait3A_470] : memref<819200x64xf32, #tpu.memory_space<hbm>> -> memref<320x64xf32, #tpu.memory_space<hbm>>
          %dma_wait3A_472 = arith.constant 0 : i32
          %dma_wait3A_473 = arith.constant 0 : i32
          %dma_wait3A_474 = tpu.memref_slice %arg6[%dma_wait3A_463, %dma_wait3A_472, %dma_wait3A_473] : memref<5x320x64xf32, #tpu.memory_space<vmem>> -> memref<1x320x64xf32, #tpu.memory_space<vmem>>
          %dma_wait3A_475 = tpu.memref_squeeze %dma_wait3A_474 : memref<1x320x64xf32, #tpu.memory_space<vmem>> -> memref<320x64xf32, #tpu.memory_space<vmem>>
          tpu.wait_dma2 semaphore(%arg20 : memref<!tpu.dma_semaphore, #tpu.memory_space<semaphore_mem>>) src(%dma_wait3A_475 : memref<320x64xf32, #tpu.memory_space<vmem>>) dst(%dma_wait3A_471 : memref<320x64xf32, #tpu.memory_space<hbm>>)
        } else {
        }
        %dma_start3A_451 = arith.constant 3 : i32
        %dma_start3A_452 = arith.constant 3 : i32
        %dma_start3A_453 = arith.constant 0 : i32
        %dma_start3A_454 = arith.constant 0 : i32
        %dma_start3A_455 = tpu.memref_slice %arg6[%dma_start3A_452, %dma_start3A_453, %dma_start3A_454] : memref<5x320x64xf32, #tpu.memory_space<vmem>> -> memref<1x320x64xf32, #tpu.memory_space<vmem>>
        %dma_start3A_456 = tpu.memref_squeeze %dma_start3A_455 : memref<1x320x64xf32, #tpu.memory_space<vmem>> -> memref<320x64xf32, #tpu.memory_space<vmem>>
        %dma_start3A_457 = arith.constant 0 : i32
        %dma_start3A_458 = tpu.memref_slice %arg5[%dma_start3A_451, %dma_start3A_457] : memref<5x320xi32, #tpu.memory_space<vmem>> -> memref<1x320xi32, #tpu.memory_space<vmem>>
        %dma_start3A_459 = tpu.memref_squeeze %dma_start3A_458 : memref<1x320xi32, #tpu.memory_space<vmem>> -> memref<320xi32, #tpu.memory_space<vmem>>
        %dma_start3A_460 = arith.constant 0 : i32
        %dma_start3A_461 = arith.constant 0 : i32
        %dma_start3A_462 = tpu.memref_slice %arg3[%dma_start3A_460, %dma_start3A_461] : memref<1000000x64xf32, #tpu.memory_space<hbm>> -> memref<1000000x64xf32, #tpu.memory_space<hbm>>
        tpu.enqueue_indirect_dma source(%dma_start3A_462 : memref<1000000x64xf32, #tpu.memory_space<hbm>>) target(%dma_start3A_456 : memref<320x64xf32, #tpu.memory_space<vmem>>) offsets(%dma_start3A_459 : memref<320xi32, #tpu.memory_space<vmem>>) semaphore(%arg15 : memref<!tpu.dma_semaphore, #tpu.memory_space<semaphore_mem>>)
      } else {
      }
      %dma_wait3A_403 = arith.constant 4 : i32
      %dma_wait3A_404 = arith.constant 4 : i32
      %dma_wait3A_405 = arith.constant 0 : i32
      %dma_wait3A_406 = arith.constant 0 : i32
      %dma_wait3A_407 = tpu.memref_slice %arg6[%dma_wait3A_404, %dma_wait3A_405, %dma_wait3A_406] : memref<5x320x64xf32, #tpu.memory_space<vmem>> -> memref<1x320x64xf32, #tpu.memory_space<vmem>>
      %dma_wait3A_408 = tpu.memref_squeeze %dma_wait3A_407 : memref<1x320x64xf32, #tpu.memory_space<vmem>> -> memref<320x64xf32, #tpu.memory_space<vmem>>
      %dma_wait3A_409 = arith.constant 0 : i32
      %dma_wait3A_410 = tpu.memref_slice %arg5[%dma_wait3A_403, %dma_wait3A_409] : memref<5x320xi32, #tpu.memory_space<vmem>> -> memref<1x320xi32, #tpu.memory_space<vmem>>
      %dma_wait3A_411 = tpu.memref_squeeze %dma_wait3A_410 : memref<1x320xi32, #tpu.memory_space<vmem>> -> memref<320xi32, #tpu.memory_space<vmem>>
      %dma_wait3A_412 = arith.constant 0 : i32
      %dma_wait3A_413 = arith.constant 0 : i32
      %dma_wait3A_414 = tpu.memref_slice %arg3[%dma_wait3A_412, %dma_wait3A_413] : memref<1000000x64xf32, #tpu.memory_space<hbm>> -> memref<1000000x64xf32, #tpu.memory_space<hbm>>
      tpu.wait_indirect_dma semaphore(%arg16 : memref<!tpu.dma_semaphore, #tpu.memory_space<semaphore_mem>>) src(%dma_wait3A_414 : memref<1000000x64xf32, #tpu.memory_space<hbm>>) dst(%dma_wait3A_408 : memref<320x64xf32, #tpu.memory_space<vmem>>)
      %mul3A_415 = arith.constant 320 : i32
      %mul3A_416 = arith.muli %add3A_395, %mul3A_415 : i32
      %add3A_417 = arith.addi %mul3A_2, %mul3A_416 : i32
      %dma_start3A_418 = arith.constant 4 : i32
      %dma_start3A_419 = arith.constant 0 : i32
      %dma_start3A_420 = arith.constant 0 : i32
      %dma_start3A_421 = tpu.memref_slice %arg6[%dma_start3A_418, %dma_start3A_419, %dma_start3A_420] : memref<5x320x64xf32, #tpu.memory_space<vmem>> -> memref<1x320x64xf32, #tpu.memory_space<vmem>>
      %dma_start3A_422 = tpu.memref_squeeze %dma_start3A_421 : memref<1x320x64xf32, #tpu.memory_space<vmem>> -> memref<320x64xf32, #tpu.memory_space<vmem>>
      %dma_start3A_423 = arith.constant 0 : i32
      %dma_start3A_424 = tpu.memref_slice %arg4[%add3A_417, %dma_start3A_423] : memref<819200x64xf32, #tpu.memory_space<hbm>> -> memref<320x64xf32, #tpu.memory_space<hbm>>
      %dma_start3A_425 = arith.constant 0 : i32
      %dma_start3A_426 = tpu.memref_slice %arg4[%add3A_417, %dma_start3A_425] : memref<819200x64xf32, #tpu.memory_space<hbm>> -> memref<320x64xf32, #tpu.memory_space<hbm>>
      %dma_start3A_427 = arith.constant 0 : i32
      %dma_start3A_428 = arith.constant 0 : i32
      %dma_start3A_429 = tpu.memref_slice %arg6[%dma_start3A_418, %dma_start3A_427, %dma_start3A_428] : memref<5x320x64xf32, #tpu.memory_space<vmem>> -> memref<1x320x64xf32, #tpu.memory_space<vmem>>
      %dma_start3A_430 = tpu.memref_squeeze %dma_start3A_429 : memref<1x320x64xf32, #tpu.memory_space<vmem>> -> memref<320x64xf32, #tpu.memory_space<vmem>>
      tpu.enqueue_dma source(%dma_start3A_430 : memref<320x64xf32, #tpu.memory_space<vmem>>) target(%dma_start3A_426 : memref<320x64xf32, #tpu.memory_space<hbm>>) target_semaphore(%arg21 : memref<!tpu.dma_semaphore, #tpu.memory_space<semaphore_mem>>)
      %add3A_431 = arith.constant 5 : i32
      %add3A_432 = arith.addi %add3A_395, %add3A_431 : i32
      %lt3A_433 = arith.constant 80 : i32
      %lt3A_434 = arith.cmpi slt, %add3A_432, %lt3A_433 : i32
      %convert_element_type3A_435 = arith.extui %lt3A_434 : i1 to i32
      %cond3A_436 = arith.constant 0 : i32
      %cond3A_437 = arith.cmpi ne, %convert_element_type3A_435, %cond3A_436 : i32
      scf.if %cond3A_437 {
        %add3A_438 = arith.constant 5 : i32
        %add3A_439 = arith.addi %add3A_395, %add3A_438 : i32
        %mul3A_440 = arith.constant 320 : i32
        %mul3A_441 = arith.muli %add3A_439, %mul3A_440 : i32
        %add3A_442 = arith.addi %mul3A_2, %mul3A_441 : i32
        %dma_start3A_443 = arith.constant 4 : i32
        %dma_start3A_444 = arith.constant 0 : i32
        %dma_start3A_445 = tpu.memref_slice %arg5[%dma_start3A_443, %dma_start3A_444] : memref<5x320xi32, #tpu.memory_space<vmem>> -> memref<1x320xi32, #tpu.memory_space<vmem>>
        %dma_start3A_446 = tpu.memref_squeeze %dma_start3A_445 : memref<1x320xi32, #tpu.memory_space<vmem>> -> memref<320xi32, #tpu.memory_space<vmem>>
        %dma_start3A_447 = tpu.memref_slice %arg2[%add3A_442] : memref<819200xi32, #tpu.memory_space<hbm>> -> memref<320xi32, #tpu.memory_space<hbm>>
        %dma_start3A_448 = arith.constant 0 : i32
        %dma_start3A_449 = tpu.memref_slice %arg5[%dma_start3A_443, %dma_start3A_448] : memref<5x320xi32, #tpu.memory_space<vmem>> -> memref<1x320xi32, #tpu.memory_space<vmem>>
        %dma_start3A_450 = tpu.memref_squeeze %dma_start3A_449 : memref<1x320xi32, #tpu.memory_space<vmem>> -> memref<320xi32, #tpu.memory_space<vmem>>
        %dma_start3A_451 = tpu.memref_slice %arg2[%add3A_442] : memref<819200xi32, #tpu.memory_space<hbm>> -> memref<320xi32, #tpu.memory_space<hbm>>
        tpu.enqueue_dma source(%dma_start3A_451 : memref<320xi32, #tpu.memory_space<hbm>>) target(%dma_start3A_450 : memref<320xi32, #tpu.memory_space<vmem>>) target_semaphore(%arg11 : memref<!tpu.dma_semaphore, #tpu.memory_space<semaphore_mem>>)
      } else {
      }
    }
    %scan3A_144 = arith.constant 16 : i32
    %dma_wait3A_145 = arith.constant 0 : i32
    %dma_wait3A_146 = arith.constant 0 : i32
    %dma_wait3A_147 = arith.constant 0 : i32
    %dma_wait3A_148 = tpu.memref_slice %arg6[%dma_wait3A_145, %dma_wait3A_146, %dma_wait3A_147] : memref<5x320x64xf32, #tpu.memory_space<vmem>> -> memref<1x320x64xf32, #tpu.memory_space<vmem>>
    %dma_wait3A_149 = tpu.memref_squeeze %dma_wait3A_148 : memref<1x320x64xf32, #tpu.memory_space<vmem>> -> memref<320x64xf32, #tpu.memory_space<vmem>>
    %dma_wait3A_150 = arith.constant 0 : i32
    %dma_wait3A_151 = tpu.memref_slice %arg4[%mul3A_2, %dma_wait3A_150] : memref<819200x64xf32, #tpu.memory_space<hbm>> -> memref<320x64xf32, #tpu.memory_space<hbm>>
    %dma_wait3A_152 = arith.constant 0 : i32
    %dma_wait3A_153 = tpu.memref_slice %arg4[%mul3A_2, %dma_wait3A_152] : memref<819200x64xf32, #tpu.memory_space<hbm>> -> memref<320x64xf32, #tpu.memory_space<hbm>>
    %dma_wait3A_154 = arith.constant 0 : i32
    %dma_wait3A_155 = arith.constant 0 : i32
    %dma_wait3A_156 = tpu.memref_slice %arg6[%dma_wait3A_145, %dma_wait3A_154, %dma_wait3A_155] : memref<5x320x64xf32, #tpu.memory_space<vmem>> -> memref<1x320x64xf32, #tpu.memory_space<vmem>>
    %dma_wait3A_157 = tpu.memref_squeeze %dma_wait3A_156 : memref<1x320x64xf32, #tpu.memory_space<vmem>> -> memref<320x64xf32, #tpu.memory_space<vmem>>
    tpu.wait_dma2 semaphore(%arg17 : memref<!tpu.dma_semaphore, #tpu.memory_space<semaphore_mem>>) src(%dma_wait3A_157 : memref<320x64xf32, #tpu.memory_space<vmem>>) dst(%dma_wait3A_153 : memref<320x64xf32, #tpu.memory_space<hbm>>)
    %dma_wait3A_158 = arith.constant 1 : i32
    %dma_wait3A_159 = arith.constant 0 : i32
    %dma_wait3A_160 = arith.constant 0 : i32
    %dma_wait3A_161 = tpu.memref_slice %arg6[%dma_wait3A_158, %dma_wait3A_159, %dma_wait3A_160] : memref<5x320x64xf32, #tpu.memory_space<vmem>> -> memref<1x320x64xf32, #tpu.memory_space<vmem>>
    %dma_wait3A_162 = tpu.memref_squeeze %dma_wait3A_161 : memref<1x320x64xf32, #tpu.memory_space<vmem>> -> memref<320x64xf32, #tpu.memory_space<vmem>>
    %dma_wait3A_163 = arith.constant 0 : i32
    %dma_wait3A_164 = tpu.memref_slice %arg4[%mul3A_2, %dma_wait3A_163] : memref<819200x64xf32, #tpu.memory_space<hbm>> -> memref<320x64xf32, #tpu.memory_space<hbm>>
    %dma_wait3A_165 = arith.constant 0 : i32
    %dma_wait3A_166 = tpu.memref_slice %arg4[%mul3A_2, %dma_wait3A_165] : memref<819200x64xf32, #tpu.memory_space<hbm>> -> memref<320x64xf32, #tpu.memory_space<hbm>>
    %dma_wait3A_167 = arith.constant 0 : i32
    %dma_wait3A_168 = arith.constant 0 : i32
    %dma_wait3A_169 = tpu.memref_slice %arg6[%dma_wait3A_158, %dma_wait3A_167, %dma_wait3A_168] : memref<5x320x64xf32, #tpu.memory_space<vmem>> -> memref<1x320x64xf32, #tpu.memory_space<vmem>>
    %dma_wait3A_170 = tpu.memref_squeeze %dma_wait3A_169 : memref<1x320x64xf32, #tpu.memory_space<vmem>> -> memref<320x64xf32, #tpu.memory_space<vmem>>
    tpu.wait_dma2 semaphore(%arg18 : memref<!tpu.dma_semaphore, #tpu.memory_space<semaphore_mem>>) src(%dma_wait3A_170 : memref<320x64xf32, #tpu.memory_space<vmem>>) dst(%dma_wait3A_166 : memref<320x64xf32, #tpu.memory_space<hbm>>)
    %dma_wait3A_171 = arith.constant 2 : i32
    %dma_wait3A_172 = arith.constant 0 : i32
    %dma_wait3A_173 = arith.constant 0 : i32
    %dma_wait3A_174 = tpu.memref_slice %arg6[%dma_wait3A_171, %dma_wait3A_172, %dma_wait3A_173] : memref<5x320x64xf32, #tpu.memory_space<vmem>> -> memref<1x320x64xf32, #tpu.memory_space<vmem>>
    %dma_wait3A_175 = tpu.memref_squeeze %dma_wait3A_174 : memref<1x320x64xf32, #tpu.memory_space<vmem>> -> memref<320x64xf32, #tpu.memory_space<vmem>>
    %dma_wait3A_176 = arith.constant 0 : i32
    %dma_wait3A_177 = tpu.memref_slice %arg4[%mul3A_2, %dma_wait3A_176] : memref<819200x64xf32, #tpu.memory_space<hbm>> -> memref<320x64xf32, #tpu.memory_space<hbm>>
    %dma_wait3A_178 = arith.constant 0 : i32
    %dma_wait3A_179 = tpu.memref_slice %arg4[%mul3A_2, %dma_wait3A_178] : memref<819200x64xf32, #tpu.memory_space<hbm>> -> memref<320x64xf32, #tpu.memory_space<hbm>>
    %dma_wait3A_180 = arith.constant 0 : i32
    %dma_wait3A_181 = arith.constant 0 : i32
    %dma_wait3A_182 = tpu.memref_slice %arg6[%dma_wait3A_171, %dma_wait3A_180, %dma_wait3A_181] : memref<5x320x64xf32, #tpu.memory_space<vmem>> -> memref<1x320x64xf32, #tpu.memory_space<vmem>>
    %dma_wait3A_183 = tpu.memref_squeeze %dma_wait3A_182 : memref<1x320x64xf32, #tpu.memory_space<vmem>> -> memref<320x64xf32, #tpu.memory_space<vmem>>
    tpu.wait_dma2 semaphore(%arg19 : memref<!tpu.dma_semaphore, #tpu.memory_space<semaphore_mem>>) src(%dma_wait3A_183 : memref<320x64xf32, #tpu.memory_space<vmem>>) dst(%dma_wait3A_179 : memref<320x64xf32, #tpu.memory_space<hbm>>)
    %dma_wait3A_184 = arith.constant 3 : i32
    %dma_wait3A_185 = arith.constant 0 : i32
    %dma_wait3A_186 = arith.constant 0 : i32
    %dma_wait3A_187 = tpu.memref_slice %arg6[%dma_wait3A_184, %dma_wait3A_185, %dma_wait3A_186] : memref<5x320x64xf32, #tpu.memory_space<vmem>> -> memref<1x320x64xf32, #tpu.memory_space<vmem>>
    %dma_wait3A_188 = tpu.memref_squeeze %dma_wait3A_187 : memref<1x320x64xf32, #tpu.memory_space<vmem>> -> memref<320x64xf32, #tpu.memory_space<vmem>>
    %dma_wait3A_189 = arith.constant 0 : i32
    %dma_wait3A_190 = tpu.memref_slice %arg4[%mul3A_2, %dma_wait3A_189] : memref<819200x64xf32, #tpu.memory_space<hbm>> -> memref<320x64xf32, #tpu.memory_space<hbm>>
    %dma_wait3A_191 = arith.constant 0 : i32
    %dma_wait3A_192 = tpu.memref_slice %arg4[%mul3A_2, %dma_wait3A_191] : memref<819200x64xf32, #tpu.memory_space<hbm>> -> memref<320x64xf32, #tpu.memory_space<hbm>>
    %dma_wait3A_193 = arith.constant 0 : i32
    %dma_wait3A_194 = arith.constant 0 : i32
    %dma_wait3A_195 = tpu.memref_slice %arg6[%dma_wait3A_184, %dma_wait3A_193, %dma_wait3A_194] : memref<5x320x64xf32, #tpu.memory_space<vmem>> -> memref<1x320x64xf32, #tpu.memory_space<vmem>>
    %dma_wait3A_196 = tpu.memref_squeeze %dma_wait3A_195 : memref<1x320x64xf32, #tpu.memory_space<vmem>> -> memref<320x64xf32, #tpu.memory_space<vmem>>
    tpu.wait_dma2 semaphore(%arg20 : memref<!tpu.dma_semaphore, #tpu.memory_space<semaphore_mem>>) src(%dma_wait3A_196 : memref<320x64xf32, #tpu.memory_space<vmem>>) dst(%dma_wait3A_192 : memref<320x64xf32, #tpu.memory_space<hbm>>)
    %dma_wait3A_197 = arith.constant 4 : i32
    %dma_wait3A_198 = arith.constant 0 : i32
    %dma_wait3A_199 = arith.constant 0 : i32
    %dma_wait3A_200 = tpu.memref_slice %arg6[%dma_wait3A_197, %dma_wait3A_198, %dma_wait3A_199] : memref<5x320x64xf32, #tpu.memory_space<vmem>> -> memref<1x320x64xf32, #tpu.memory_space<vmem>>
    %dma_wait3A_201 = tpu.memref_squeeze %dma_wait3A_200 : memref<1x320x64xf32, #tpu.memory_space<vmem>> -> memref<320x64xf32, #tpu.memory_space<vmem>>
    %dma_wait3A_202 = arith.constant 0 : i32
    %dma_wait3A_203 = tpu.memref_slice %arg4[%mul3A_2, %dma_wait3A_202] : memref<819200x64xf32, #tpu.memory_space<hbm>> -> memref<320x64xf32, #tpu.memory_space<hbm>>
    %dma_wait3A_204 = arith.constant 0 : i32
    %dma_wait3A_205 = tpu.memref_slice %arg4[%mul3A_2, %dma_wait3A_204] : memref<819200x64xf32, #tpu.memory_space<hbm>> -> memref<320x64xf32, #tpu.memory_space<hbm>>
    %dma_wait3A_206 = arith.constant 0 : i32
    %dma_wait3A_207 = arith.constant 0 : i32
    %dma_wait3A_208 = tpu.memref_slice %arg6[%dma_wait3A_197, %dma_wait3A_206, %dma_wait3A_207] : memref<5x320x64xf32, #tpu.memory_space<vmem>> -> memref<1x320x64xf32, #tpu.memory_space<vmem>>
    %dma_wait3A_209 = tpu.memref_squeeze %dma_wait3A_208 : memref<1x320x64xf32, #tpu.memory_space<vmem>> -> memref<320x64xf32, #tpu.memory_space<vmem>>
    tpu.wait_dma2 semaphore(%arg21 : memref<!tpu.dma_semaphore, #tpu.memory_space<semaphore_mem>>) src(%dma_wait3A_209 : memref<320x64xf32, #tpu.memory_space<vmem>>) dst(%dma_wait3A_205 : memref<320x64xf32, #tpu.memory_space<hbm>>)
    return
  }
}

</mosaic_0001>

<sc_bundles>
// kernel: kernel.3.cloned.1.call-start
scs
__scs_entry_jumppad:
0x0: {  	(pc) =	sbr.rel $0x88, $3  }
0x1: {  	(tag) =	ssettag $0x0;
	lr =	simm.s32 $0x1  }
0x2: {  	[smem:$0x3F9F] =	sst lr;
	_ =	strace $0xD0000000  }
0x3: {  	_ = 	snop  }
0x4: {  	_ = 	snop  }
0x5: {  	_ = 	snop  }
0x6: {  	_ = 	snop  }
0x7: {  	_ = 	snop  }
__scs_overlays_trampoline_lowered:
0x8: {  	[smem:$0x3FAE] =	sst s0  }
0x9: {  	[smem:$0x3FAF] =	sst s1  }
0xa: {  	[smem:$0x3FB0] =	sst s2  }
0xb: {  	[smem:$0x3FB1] =	sst s3  }
0xc: {  	[smem:$0x3FB2] =	sst s4  }
0xd: {  	[smem:$0x3FB3] =	sst s5  }
0xe: {  	[smem:$0x3FB4] =	sst s6  }
0xf: {  	[smem:$0x3FB5] =	sst s7  }
0x10: {  	[smem:$0x3FB6] =	sst s8  }
0x11: {  	[smem:$0x3FB7] =	sst s9;
	s0 =	simm.s32 @!p0 $0x0  }
0x12: {  	s1 =	sld [smem:$0x3F9D];
	s0 =	simm.s32 @p0 $0x1  }
0x13: {  	[smem:$0x3FB8] =	sst s0;
	s0 =	simm.s32 @!p1 $0x0  }
0x14: {  	s2 =	sld [smem:$0x3F9C];
	s0 =	simm.s32 @p1 $0x1  }
0x15: {  	[smem:$0x3FB9] =	sst s0;
	s0 =	simm.s32 @!p2 $0x0  }
0x16: {  	s3 =	sld [smem:$0x3FDB];
	s0 =	simm.s32 @p2 $0x1  }
0x17: {  	s4 =	simm.s32 $0x1BF5;
	[smem:$0x3FBB] =	sst s0  }
0x18: {  	s0 =	sld [smem:$0x3F9E];
	_ =	swait.ge [sflag:s4], $0x0  }
0x19: {  	s7 =	sld [smem:$0x3F9F]  }
0x1a: {  	s8 =	sadd.s32 $0xFFFFE003, lr  }
0x1b: {  	s9 =	sadd.s32 $0xFFFFFEF7, lr;
	s5 =	simm.s32 $0xFFFFFFFF;
	p2 =	slt.u32 s8, $0xFFFFF086  }
0x1c: {  	p1 =	slt.u32 s9, $0xF7A;
	s5 =	simm.s32 @!p2 $0x0  }
0x1d: {  	s5 =	simm.s32 @p1 $0x1;
	p0 =	seq.s32 s7, s2  }
0x1e: {  	s7 =	smul.u32 @!p0 $0xF7A, s2;
	p2 =	seq.s32 @!p0 s5, $0x0  }
0x1f: {  	s9 =	smul.u32 $0xF7A, s1;
	s8 =	simm.s32 @!p0 $0x1BF5;
	p2 =	por !p2, p0  }
0x20: {  	[sflag:s8] =	ssyncset.s32 @!p0 $0xFFFFF086;
	s6 =	sadd.s32 @!p0 s3, s7;
	s7 =	simm.s32 @!p0 $0x108  }
0x21: {  	s3 =	sadd.s32 s3, s9;
	s6 =	sadd.s32 @!p0 $0x88, s6;
	s7 =	simm.s32 @p2 $0x1082  }
0x22: {  	[simem:s7], [sflag:s8] =	dma.local @!p0 [hbm:s6], $0xF7A  }
0x23: {  	s9 =	sor.u32 $0xD0000000, s2;
	s6 =	simm.s32 $0x108;
	_ =	swait.ge @!p0 [sflag:s8], $0x0  }
0x24: {  	s3 =	sadd.s32 $0x88, s3;
	s6 =	simm.s32 @!p1 $0x1082;
	[sflag:s4] =	ssyncset.s32 $0xFFFFF086  }
0x25: {  	[simem:s6], [sflag:s4] =	dma.local [hbm:s3], $0xF7A  }
0x26: {  	[smem:$0x3F9F] =	sst s1;
	(tag) =	ssettag s2;
	_ =	strace s9  }
0x27: {  	s1 =	sld [smem:$0x3FAF]  }
0x28: {  	s2 =	sld [smem:$0x3FB0]  }
0x29: {  	s4 =	sld [smem:$0x3FB2]  }
0x2a: {  	p0 =	seq.s32 s5, $0x0;
	s5 =	sld [smem:$0x3FB3]  }
0x2b: {  	s6 =	sld [smem:$0x3FB4]  }
0x2c: {  	s7 =	sld [smem:$0x3FB5]  }
0x2d: {  	s3 =	simm.s32 $0x108;
	s8 =	sld [smem:$0x3FB6]  }
0x2e: {  	s3 =	simm.s32 @!p0 $0x1082;
	s9 =	sld [smem:$0x3FB7]  }
0x2f: {  	lr =	sadd.s32 s0, s3;
	s0 =	sld [smem:$0x3FAE]  }
0x30: {  	s3 =	sld [smem:$0x3FB1]  }
0x31: {  	[smem:$0x3FBA] =	sst s10  }
0x32: {  	s10 =	sld [smem:$0x3FB8];
	_ =	sdelay $0x3  }
0x33: {  	p0 =	seq.s32 s10, $0x1;
	s10 =	sld [smem:$0x3FBA];
	_ =	sdelay $0x3  }
0x34: {  	[smem:$0x3FBA] =	sst s10  }
0x35: {  	s10 =	sld [smem:$0x3FB9];
	_ =	sdelay $0x3  }
0x36: {  	p1 =	seq.s32 s10, $0x1;
	s10 =	sld [smem:$0x3FBA];
	_ =	sdelay $0x3  }
0x37: {  	[smem:$0x3FBA] =	sst s10  }
0x38: {  	s10 =	sld [smem:$0x3FBB]  }
0x39: {  	_ = 	snop;
	(pc) =	sbr.ind lr, $3  }
0x3a: {  	_ = 	snop  }
0x3b: {  	_ = 	snop  }
0x3c: {  	p2 =	seq.s32 s10, $0x1;
	s10 =	sld [smem:$0x3FBA]  }
0x3d: {  	_ =	shalt  }
0x3e: {  	_ =	shalt  }
0x3f: {  	_ =	shalt  }
0x40: {  	_ =	shalt  }
0x41: {  	_ =	shalt  }
0x42: {  	_ =	shalt  }
0x43: {  	_ =	shalt  }
0x44: {  	_ =	shalt  }
0x45: {  	_ =	shalt  }
0x46: {  	_ =	shalt  }
0x47: {  	_ =	shalt  }
0x48: {  	_ =	shalt  }
0x49: {  	_ =	shalt  }
0x4a: {  	_ =	shalt  }
0x4b: {  	_ =	shalt  }
0x4c: {  	_ =	shalt  }
0x4d: {  	_ =	shalt  }
0x4e: {  	_ =	shalt  }
0x4f: {  	_ =	shalt  }
0x50: {  	_ =	shalt  }
0x51: {  	_ =	shalt  }
0x52: {  	_ =	shalt  }
0x53: {  	_ =	shalt  }
0x54: {  	_ =	shalt  }
0x55: {  	_ =	shalt  }
0x56: {  	_ =	shalt  }
0x57: {  	_ =	shalt  }
0x58: {  	_ =	shalt  }
0x59: {  	_ =	shalt  }
0x5a: {  	_ =	shalt  }
0x5b: {  	_ =	shalt  }
0x5c: {  	_ =	shalt  }
0x5d: {  	_ =	shalt  }
0x5e: {  	_ =	shalt  }
0x5f: {  	_ =	shalt  }
0x60: {  	_ =	shalt  }
0x61: {  	_ =	shalt  }
0x62: {  	_ =	shalt  }
0x63: {  	_ =	shalt  }
0x64: {  	_ =	shalt  }
0x65: {  	_ =	shalt  }
0x66: {  	_ =	shalt  }
0x67: {  	_ =	shalt  }
0x68: {  	_ =	shalt  }
0x69: {  	_ =	shalt  }
0x6a: {  	_ =	shalt  }
0x6b: {  	_ =	shalt  }
0x6c: {  	_ =	shalt  }
0x6d: {  	_ =	shalt  }
0x6e: {  	_ =	shalt  }
0x6f: {  	_ =	shalt  }
0x70: {  	_ =	shalt  }
0x71: {  	_ =	shalt  }
0x72: {  	_ =	shalt  }
0x73: {  	_ =	shalt  }
0x74: {  	_ =	shalt  }
0x75: {  	_ =	shalt  }
0x76: {  	_ =	shalt  }
0x77: {  	_ =	shalt  }
0x78: {  	_ =	shalt  }
0x79: {  	_ =	shalt  }
0x7a: {  	_ =	shalt  }
0x7b: {  	_ =	shalt  }
0x7c: {  	_ =	shalt  }
0x7d: {  	_ =	shalt  }
0x7e: {  	_ =	shalt  }
0x7f: {  	_ =	shalt  }
0x80: {  	_ =	shalt  }
0x81: {  	_ =	shalt  }
0x82: {  	_ =	shalt  }
0x83: {  	_ =	shalt  }
0x84: {  	_ =	shalt  }
0x85: {  	_ =	shalt  }
0x86: {  	_ =	shalt  }
0x87: {  	_ =	shalt  }
.Lfunc_end0:
.L_simem_size_0:
called_computation.1_lowered:
.L_overlay_start_0:
0x88: {  	s2 =	sld [smem:$0x3FD9]  }
0x89: {  	s3 =	sld [smem:$0x3FFE];
	_ =	sdelay $0x1  }
0x8a: {  	s1 =	srdreg.scid  }
0x8b: {  	s0 =	sand.u32 $0x1, s1  }
0x8c: {  	s17 =	sshll.u32 s0, $0xA;
	s2 =	sadd.s32 s3, s2  }
0x8d: {  	s2 =	sadd.s32 s2, s17  }
0x8e: {  	[smem:$0x3FC6] =	sst s2  }
0x8f: {  	_ = 	snop  }
0x90: {  	s2 =	sld [smem:$0x3FD0];
	(tm) =	ssettm $0x1  }
0x91: {  	s18 =	sld [smem:$0x3FFB];
	_ =	sdelay $0x3  }
0x92: {  	_ =	strace s18  }
0x93: {  	s3 =	sld [smem:$0x3FFC];
	_ =	sdelay $0x3  }
0x94: {  	_ =	strace s3  }
0x95: {  	s3 =	sld [smem:$0x3FFD];
	_ =	sdelay $0x3  }
0x96: {  	_ =	strace s3  }
0x97: {  	_ =	strace $0x8FFFFFFF  }
0x98: {  	s19 =	sld [smem:$0x3FDB];
	_ =	sdelay $0x1  }
0x99: {  	s4 =	simm.s32 $_scs_section_size  }
0x9a: {  	s5 =	simm.s32 $_size__tile_overlayer_lowered;
	s6 =	simm.s32 $_tile_overlayer_lowered  }
0x9b: {  	s22 =	simm.s32 $0x1BFF;
	s21 =	sshll.u32 s6, $0x1;
	s3 =	sadd.s32 s4, s19  }
0x9c: {  	s7 =	simm.s32 $0x0;
	s20 =	sshll.u32 s5, $0x1;
	s5 =	sadd.s32 s21, s3  }
0x9d: {  	[timem:s7], [sflag:s22] =	dma.local [hbm:s5], s20  }
0x9e: {  	_ =	swait.ge [sflag:s22], s20  }
0x9f: {  	s4 =	ssub.s32 $0x0, s20;
	[sflag:s22] =	ssyncset.done $0x0  }
0xa0: {  	[sflag:s22] =	ssyncadd.s32 s4;
	_ =	sdelay $0x1  }
0xa1: {  	s23 =	simm.s32 $0x1B8B  }
0xa2: {  	_ =	swait.ge [sflag:s23], $0x1  }
0xa3: {  	[sflag:s23] =	ssyncset.done $0x0  }
0xa4: {  	s25 =	simm.s32 $0x1B8E;
	s24 =	sld [smem:$0x3FFE];
	[sflag:s23] =	ssyncadd.s32 $0xFFFFFFFF  }
0xa5: {  	s26 =	simm.s32 $execute0_lowered;
	[smem:$0x3FD2] =	sst s25  }
0xa6: {  	s5 =	sshll.u32 s26, $0x1;
	_ =	strace $0x80000046;
	[dreg:$0x1] =	wrdreg $0xFFFFFFFF  }
0xa7: {  	s28 =	simm.s32 $_size_execute0_lowered;
	s3 =	sadd.s32 s3, s5;
	[dreg:$0x0] =	wrdreg $0x0  }
0xa8: {  	s5 =	sshll.u32 s28, $0x1;
	[dreg:$0x2] =	wrdreg s3  }
0xa9: {  	[dreg:$0x3] =	wrdreg s5  }
0xaa: {  	[dreg:$0x4] =	wrdreg $0xC0  }
0xab: {  	_ =	task [dreg:s7], $0x5FFFF  }
0xac: {  	[dreg:$0x1] =	wrdreg $0xFFFFFFFF  }
0xad: {  	[dreg:$0x0] =	wrdreg $0x60  }
0xae: {  	[dreg:$0x2] =	wrdreg s24  }
0xaf: {  	[dreg:$0x3] =	wrdreg s2  }
0xb0: {  	[dreg:$0x4] =	wrdreg $0x9  }
0xb1: {  	_ =	task.clear_ibuf [dreg:s7], $0x5FFFF;
	_ =	strace $0x90000046  }
0xb2: {  	s29 =	simm.s32 $0x9;
	_ =	strace $0x80000048  }
0xb3: {  	_ =	swait.ge [sflag:s29], $0x1  }
0xb4: {  	[sflag:s29] =	ssyncadd.s32 $0xFFFFFFFF  }
0xb5: {  	_ =	strace $0x90000048  }
0xb6: {  	_ =	sfence  }
0xb7: {  	s30 =	sld [smem:$0x0];
	_ =	sdelay $0x2  }
0xb8: {  	s31 =	sshll.u32 s1, $0xD;
	s1 =	sshrl.u32 s1, $0x2  }
0xb9: {  	s3 =	sand.u32 $0x4000, s31;
	s1 =	sadd.s32 s1, s30  }
0xba: {  	s0 =	sor.u32 s3, s0;
	s1 =	sshll.u32 s1, $0x11  }
0xbb: {  	s0 =	sor.u32 s1, s0  }
0xbc: {  	s0 =	sadd.s32 $0x8F2B, s0  }
0xbd: {  	[sflag:s0] =	ssyncadd.remote.s32 $0x1  }
0xbe: {  	_ =	sfence.sel $0xFFFF  }
0xbf: {  	[dreg:$0x0] =	wrdreg $0xFFFFFFFF;
	(pc) =	sbr.abs _section_cstart, $3  }
0xc0: {  	[dreg:$0x1] =	wrdreg $0xFFFFFFFF  }
0xc1: {  	_ =	task.clear_ibuf [dreg:s7], $0x2FFFF;
	_ =	strace $0x9FFFFFFF  }
0xc2: {  	(tm) =	ssettm $0x7FFFFFFF  }
0xc3: {  	_ =	shalt  }
tec
execute0_lowered:
.L_overlay_start_1:
0x0: {  	(tag) =	ssettag $0x1  }
0x1: {  	s0 =	rddreg [dreg:$0x0]  }
0x2: {  	s1 =	rddreg [dreg:$0x1];
	s3 =	srdreg.scid  }
0x3: {  	s11 =	stileid.u32;
	s2 =	simm.s32 $0x0;
	s29 =	simm.s32 $0x5640  }
0x4: {  	s31 =	simm.s32 $0xA640;
	s5 =	sand.u32 $0x1, s3;
	s7 =	smul.u32 $0xC800, s11  }
0x5: {  	s28 =	sshll.u32 s11, $0x1;
	[smem:$0x7FF] =	sst s2;
	s26 =	smul.u32 $0x64000, s11  }
0x6: {  	s11 =	simm.s32 $0x9;
	s3 =	sor.u32 s5, s28;
	s10 =	smul.u32 $0x6400, s5  }
0x7: {  	_ =	strace $0x80000047;
	s6 =	ssub.s32 $0x2, s5;
	s5 =	smul.u32 $0x32000, s5  }
0x8: {  	s4 =	smul.u32 $0x6400, s3;
	s3 =	sadd.s32 $0xA00, s0;
	s8 =	sshrl.u32 s6, $0x1  }
0x9: {  	s28 =	sadd.s32 s26, s1;
	s26 =	simm.s32 $0x640;
	s30 =	ssub.s32 s6, s8  }
0xa: {  	s15 =	sadd.s32 s10, s7;
	s6 =	simm.s32 $0x5;
	s8 =	simm.s32 $0x6  }
0xb: {  	s10 =	simm.s32 $0x8;
	s9 =	sshrl.u32 s4, $0x3;
	s4 =	sadd.s32 $0xF42E00, s0  }
0xc: {  	s18 =	sadd.s32 $0xB40, s15;
	s0 =	smax.u32 s30, $0x1;
	s20 =	sshll.u32 s15, $0x3  }
0xd: {  	s22 =	sadd.s32 $0xA00, s15;
	s23 =	sadd.s32 $0x8C0, s15;
	s25 =	sadd.s32 $0x780, s15  }
0xe: {  	s30 =	sadd.s32 $0x640, s15;
	s15 =	simm.s32 $0x0;
	s12 =	sadd.s32 s3, s9  }
0xf: {  	[dreg:$0x8] =	wrdreg s0;
	s19 =	sshrl.u32 s18, $0x3;
	s21 =	sadd.s32 s20, s1  }
0x10: {  	s7 =	sshrl.u32 s22, $0x3;
	s24 =	sshrl.u32 s23, $0x3;
	[dreg:$0xd] =	wrdreg s30  }
0x11: {  	s20 =	sadd.s32 s5, s28;
	s13 =	sadd.s32 $0x28, s12;
	[dreg:$0x3] =	wrdreg s12  }
0x12: {  	s1 =	simm.s32 $0xF640;
	s14 =	sadd.s32 $0x50, s12;
	[dreg:$0x4] =	wrdreg s13  }
0x13: {  	s9 =	simm.s32 $0x7;
	s16 =	sadd.s32 $0x78, s12;
	[dreg:$0x5] =	wrdreg s14  }
0x14: {  	s17 =	sadd.s32 $0xA0, s12;
	s0 =	sadd.s32 s19, s3;
	[dreg:$0x6] =	wrdreg s16  }
0x15: {  	s12 =	sadd.s32 $0x2800, s21;
	s7 =	sadd.s32 s7, s3;
	[dreg:$0x7] =	wrdreg s17  }
.Ltmp0:
0x16: {  	s18 =	sadd.s32 $0xA00, s21;
	[dreg:$0x9] =	wrdreg s0;
	(pc) =	sbr.rel .LBB2_1-.Ltmp0, $4  }
0x17: {  	[dreg:$0xa] =	wrdreg s7;
	s14 =	sadd.s32 $0x1E00, s21;
	s7 =	sadd.s32 s24, s3  }
0x18: {  	s16 =	sadd.s32 $0x1400, s21;
	[dreg:$0xb] =	wrdreg s7;
	s7 =	sshrl.u32 s25, $0x3  }
0x19: {  	s21 =	simm.s32 $0x140;
	s24 =	simm.s32 $0x500;
	s7 =	sadd.s32 s7, s3  }
0x1a: {  	s13 =	simm.s32 $0xA;
	[dreg:$0xc] =	wrdreg s7;
	s7 =	simm.s32 $0x14640  }
.LBB2_4:
0x1b: {  	s0 =	simm.s32 $0xB  }
0x1c: {  	_ =	swait.ge [sflag:s0], $0x5000  }
0x1d: {  	[sflag:s0] =	ssyncset.done $0x0  }
0x1e: {  	s23 =	simm.s32 $0xC;
	[sflag:s0] =	ssyncadd.s32 $0xFFFFB000  }
0x1f: {  	_ =	swait.ge [sflag:s23], $0x5000  }
0x20: {  	[sflag:s23] =	ssyncset.done $0x0  }
0x21: {  	s25 =	simm.s32 $0xD;
	[sflag:s23] =	ssyncadd.s32 $0xFFFFB000  }
0x22: {  	_ =	swait.ge [sflag:s25], $0x5000  }
0x23: {  	[sflag:s25] =	ssyncset.done $0x0  }
0x24: {  	s28 =	simm.s32 $0xE;
	[sflag:s25] =	ssyncadd.s32 $0xFFFFB000  }
0x25: {  	_ =	swait.ge [sflag:s28], $0x5000  }
0x26: {  	[sflag:s28] =	ssyncset.done $0x0  }
0x27: {  	s5 =	simm.s32 $0xF;
	[sflag:s28] =	ssyncadd.s32 $0xFFFFB000  }
0x28: {  	_ =	swait.ge [sflag:s5], $0x5000  }
0x29: {  	s15 =	rddreg [dreg:$0xe]  }
0x2a: {  	s30 =	rddreg [dreg:$0x8];
	s15 =	sadd.s32 $0x1, s15  }
0x2b: {  	p0 =	sne.s32 s15, s30  }
.Ltmp1:
0x2c: {  	_ = 	snop;
	(pc) =	sbr.rel @!p0 .LBB2_5-.Ltmp1, $3  }
0x2d: {  	_ =	sdelay $0x1  }
0x2e: {  	[sflag:s5] =	ssyncset.done $0x0  }
0x2f: {  	[sflag:s5] =	ssyncadd.s32 $0xFFFFB000  }
.LBB2_1:
0x30: {  	[dreg:$0xe] =	wrdreg s15  }
0x31: {  	s0 =	rddreg [dreg:$0x3]  }
0x32: {  	[tilespmem:s2], [sflag:$0x1] =	stream.linear.gather [hbm4b:s0+s2], $0x140, $0x38;
	[tilespmem:$0x19640] =	vst v63  }
0x33: {  	s22 =	rddreg [dreg:$0x4]  }
0x34: {  	[tilespmem:s21], [sflag:$0x2] =	stream.linear.gather [hbm4b:s22+s2], $0x140, $0x38;
	[tilespmem:$0x19640] =	vst v63  }
0x35: {  	s23 =	rddreg [dreg:$0x5];
	s5 =	simm.s32 $0x280  }
0x36: {  	[tilespmem:s5], [sflag:$0x3] =	stream.linear.gather [hbm4b:s23+s2], $0x140, $0x38;
	[tilespmem:$0x19640] =	vst v63  }
0x37: {  	s25 =	rddreg [dreg:$0x6];
	s15 =	simm.s32 $0x3C0  }
0x38: {  	[tilespmem:s15], [sflag:$0x4] =	stream.linear.gather [hbm4b:s25+s2], $0x140, $0x38;
	[tilespmem:$0x19640] =	vst v63  }
0x39: {  	s17 =	rddreg [dreg:$0x7];
	s19 =	simm.s32 $0x1  }
0x3a: {  	[tilespmem:s24], [sflag:$0x5] =	stream.linear.gather [hbm4b:s17+s2], $0x140, $0x38;
	[tilespmem:$0x19640] =	vst v63  }
0x3b: {  	_ =	swait.ge [sflag:s19], $0x140  }
0x3c: {  	[sflag:s19] =	ssyncset.done $0x0  }
0x3d: {  	s22 =	simm.s32 $0x2;
	[sflag:s19] =	ssyncadd.s32 $0xFFFFFEC0  }
0x3e: {  	[tilespmem:s26], [sflag:$0x6] =	stream.indirect.gather [hbm4b:s4+s21], $0x40, s2, s21, $0xb8;
	[tilespmem:$0x19640] =	vst v63  }
0x3f: {  	_ =	swait.ge [sflag:s22], $0x140  }
0x40: {  	[sflag:s22] =	ssyncset.done $0x0  }
0x41: {  	s23 =	simm.s32 $0x3;
	[sflag:s22] =	ssyncadd.s32 $0xFFFFFEC0  }
0x42: {  	[tilespmem:s29], [sflag:$0x7] =	stream.indirect.gather [hbm4b:s4+s21], $0x40, s21, s21, $0xb8;
	[tilespmem:$0x19640] =	vst v63  }
0x43: {  	_ =	swait.ge [sflag:s23], $0x140  }
0x44: {  	[sflag:s23] =	ssyncset.done $0x0  }
0x45: {  	s25 =	simm.s32 $0x4;
	[sflag:s23] =	ssyncadd.s32 $0xFFFFFEC0  }
0x46: {  	[tilespmem:s31], [sflag:$0x8] =	stream.indirect.gather [hbm4b:s4+s21], $0x40, s5, s21, $0xb8;
	[tilespmem:$0x19640] =	vst v63  }
0x47: {  	_ =	swait.ge [sflag:s25], $0x140  }
0x48: {  	s28 =	rddreg [dreg:$0xc]  }
0x49: {  	s30 =	rddreg [dreg:$0xb]  }
0x4a: {  	[sflag:s25] =	ssyncset.done $0x0;
	s0 =	rddreg [dreg:$0xa]  }
0x4b: {  	s5 =	rddreg [dreg:$0x9];
	[sflag:s25] =	ssyncadd.s32 $0xFFFFFEC0  }
0x4c: {  	[tilespmem:s1], [sflag:$0x9] =	stream.indirect.gather [hbm4b:s4+s21], $0x40, s15, s21, $0xb8;
	[tilespmem:$0x19640] =	vst v63  }
0x4d: {  	s25 =	rddreg [dreg:$0xd];
	s15 =	simm.s32 $0x0  }
.LBB2_2:
0x4e: {  	_ =	swait.ge [sflag:s6], $0x140  }
0x4f: {  	p0 =	seq.s32 s15, $0x0;
	[sflag:s6] =	ssyncset.done $0x0  }
0x50: {  	s17 =	simm.s32 @!p0 $0xF;
	[sflag:s6] =	ssyncadd.s32 $0xFFFFFEC0  }
0x51: {  	_ =	swait.ge @!p0 [sflag:s17], $0x5000  }
0x52: {  	[sflag:s17] =	ssyncset.done @!p0 $0x0  }
0x53: {  	[sflag:s17] =	ssyncadd.s32 @!p0 $0xFFFFB000  }
0x54: {  	[tilespmem:s7], [sflag:$0xA] =	stream.indirect.gather [hbm4b:s4+s21], $0x40, s24, s21, $0xb8;
	[tilespmem:$0x19640] =	vst v63  }
0x55: {  	_ =	swait.ge [sflag:s8], $0x5000  }
0x56: {  	p0 =	seq.s32 s15, $0x2EE00;
	[sflag:s8] =	ssyncset.done $0x0  }
0x57: {  	s23 =	sadd.s32 s15, s20;
	s17 =	sshrl.u32 @!p0 s25, $0x3;
	[sflag:s8] =	ssyncadd.s32 $0xFFFFB000  }
0x58: {  	[hbm4b:s23+s2] =	stream.linear.scatter [tilespmem:s26], [sflag:$0xB], $0x5000, $0x38;
	[tilespmem:$0x19640] =	vst v63  }
0x59: {  	s22 =	simm.s32 @!p0 $0x0;
	s17 =	sadd.s32 @!p0 s3, s17  }
0x5a: {  	[tilespmem:s22], [sflag:$0x1] =	stream.linear.gather @!p0 [hbm4b:s17+s22], $0x140, $0x38;
	[tilespmem:$0x19640] =	vst v63  }
0x5b: {  	s17 =	simm.s32 @!p0 $0x1  }
0x5c: {  	_ =	swait.ge @!p0 [sflag:s17], $0x140  }
0x5d: {  	[sflag:s17] =	ssyncset.done @!p0 $0x0  }
0x5e: {  	[sflag:s17] =	ssyncadd.s32 @!p0 $0xFFFFFEC0;
	s17 =	simm.s32 @!p0 $0xB  }
0x5f: {  	_ =	swait.ge @!p0 [sflag:s17], $0x5000  }
0x60: {  	[sflag:s17] =	ssyncset.done @!p0 $0x0  }
0x61: {  	s23 =	simm.s32 @!p0 $0x640;
	[sflag:s17] =	ssyncadd.s32 @!p0 $0xFFFFB000;
	s17 =	simm.s32 @!p0 $0x140  }
0x62: {  	[tilespmem:s23], [sflag:$0x6] =	stream.indirect.gather @!p0 [hbm4b:s4+s17], $0x40, s22, s17, $0xb8;
	[tilespmem:$0x19640] =	vst v63  }
0x63: {  	_ =	swait.ge [sflag:s9], $0x5000  }
0x64: {  	[sflag:s9] =	ssyncset.done $0x0  }
0x65: {  	s19 =	sadd.s32 s15, s18;
	[sflag:s9] =	ssyncadd.s32 $0xFFFFB000  }
0x66: {  	[hbm4b:s19+s2] =	stream.linear.scatter [tilespmem:s29], [sflag:$0xC], $0x5000, $0x38;
	[tilespmem:$0x19640] =	vst v63  }
0x67: {  	s23 =	simm.s32 @!p0 $0x2  }
0x68: {  	[tilespmem:s17], [sflag:$0x2] =	stream.linear.gather @!p0 [hbm4b:s28+s22], $0x140, $0x38;
	[tilespmem:$0x19640] =	vst v63  }
0x69: {  	_ =	swait.ge @!p0 [sflag:s23], $0x140  }
0x6a: {  	[sflag:s23] =	ssyncset.done @!p0 $0x0  }
0x6b: {  	[sflag:s23] =	ssyncadd.s32 @!p0 $0xFFFFFEC0;
	s23 =	simm.s32 @!p0 $0xC  }
0x6c: {  	_ =	swait.ge @!p0 [sflag:s23], $0x5000  }
0x6d: {  	[sflag:s23] =	ssyncset.done @!p0 $0x0  }
0x6e: {  	[sflag:s23] =	ssyncadd.s32 @!p0 $0xFFFFB000;
	s23 =	simm.s32 @!p0 $0x5640  }
0x6f: {  	[tilespmem:s23], [sflag:$0x7] =	stream.indirect.gather @!p0 [hbm4b:s4+s17], $0x40, s17, s17, $0xb8;
	[tilespmem:$0x19640] =	vst v63  }
0x70: {  	_ =	swait.ge [sflag:s10], $0x5000  }
0x71: {  	[sflag:s10] =	ssyncset.done $0x0  }
0x72: {  	s19 =	sadd.s32 s15, s16;
	[sflag:s10] =	ssyncadd.s32 $0xFFFFB000  }
0x73: {  	[hbm4b:s19+s2] =	stream.linear.scatter [tilespmem:s31], [sflag:$0xD], $0x5000, $0x38;
	[tilespmem:$0x19640] =	vst v63  }
0x74: {  	s23 =	simm.s32 @!p0 $0x280;
	s19 =	simm.s32 @!p0 $0x3  }
0x75: {  	[tilespmem:s23], [sflag:$0x3] =	stream.linear.gather @!p0 [hbm4b:s30+s22], $0x140, $0x38;
	[tilespmem:$0x19640] =	vst v63  }
0x76: {  	_ =	swait.ge @!p0 [sflag:s19], $0x140  }
0x77: {  	[sflag:s19] =	ssyncset.done @!p0 $0x0  }
0x78: {  	[sflag:s19] =	ssyncadd.s32 @!p0 $0xFFFFFEC0;
	s19 =	simm.s32 @!p0 $0xD  }
0x79: {  	_ =	swait.ge @!p0 [sflag:s19], $0x5000  }
0x7a: {  	[sflag:s19] =	ssyncset.done @!p0 $0x0  }
0x7b: {  	[sflag:s19] =	ssyncadd.s32 @!p0 $0xFFFFB000;
	s19 =	simm.s32 @!p0 $0xA640  }
0x7c: {  	[tilespmem:s19], [sflag:$0x8] =	stream.indirect.gather @!p0 [hbm4b:s4+s17], $0x40, s23, s17, $0xb8;
	[tilespmem:$0x19640] =	vst v63  }
0x7d: {  	_ =	swait.ge [sflag:s11], $0x5000  }
0x7e: {  	[sflag:s11] =	ssyncset.done $0x0  }
0x7f: {  	s23 =	sadd.s32 s15, s14;
	[sflag:s11] =	ssyncadd.s32 $0xFFFFB000  }
0x80: {  	[hbm4b:s23+s2] =	stream.linear.scatter [tilespmem:s1], [sflag:$0xE], $0x5000, $0x38;
	[tilespmem:$0x19640] =	vst v63  }
0x81: {  	s19 =	simm.s32 @!p0 $0x3C0  }
0x82: {  	[tilespmem:s19], [sflag:$0x4] =	stream.linear.gather @!p0 [hbm4b:s0+s22], $0x140, $0x38;
	[tilespmem:$0x19640] =	vst v63  }
0x83: {  	s22 =	simm.s32 @!p0 $0x4  }
0x84: {  	_ =	swait.ge @!p0 [sflag:s22], $0x140  }
0x85: {  	[sflag:s22] =	ssyncset.done @!p0 $0x0  }
0x86: {  	[sflag:s22] =	ssyncadd.s32 @!p0 $0xFFFFFEC0;
	s22 =	simm.s32 @!p0 $0xE  }
0x87: {  	_ =	swait.ge @!p0 [sflag:s22], $0x5000  }
0x88: {  	[sflag:s22] =	ssyncset.done @!p0 $0x0  }
0x89: {  	[sflag:s22] =	ssyncadd.s32 @!p0 $0xFFFFB000;
	s22 =	simm.s32 @!p0 $0xF640  }
0x8a: {  	[tilespmem:s22], [sflag:$0x9] =	stream.indirect.gather @!p0 [hbm4b:s4+s17], $0x40, s19, s17, $0xb8;
	[tilespmem:$0x19640] =	vst v63  }
.Ltmp2:
0x8b: {  	_ = 	snop;
	(pc) =	sbr.rel @p0 .LBB2_4-.Ltmp2, $4  }
0x8c: {  	_ =	swait.ge [sflag:s13], $0x5000  }
0x8d: {  	[sflag:s13] =	ssyncset.done $0x0  }
0x8e: {  	s23 =	sadd.s32 s15, s12;
	[sflag:s13] =	ssyncadd.s32 $0xFFFFB000  }
0x8f: {  	[hbm4b:s23+s2] =	stream.linear.scatter [tilespmem:s7], [sflag:$0xF], $0x5000, $0x38;
	[tilespmem:$0x19640] =	vst v63  }
.Ltmp3:
0x90: {  	(pc) =	sbr.rel .LBB2_2-.Ltmp3, $4  }
0x91: {  	_ = 	snop  }
0x92: {  	[tilespmem:s24], [sflag:$0x5] =	stream.linear.gather [hbm4b:s5+s2], $0x140, $0x38;
	[tilespmem:$0x19640] =	vst v63  }
0x93: {  	s5 =	sadd.s32 $0xC8, s5;
	s15 =	sadd.s32 $0x3200, s15;
	s0 =	sadd.s32 $0xC8, s0  }
0x94: {  	s30 =	sadd.s32 $0xC8, s30;
	s28 =	sadd.s32 $0xC8, s28;
	s25 =	sadd.s32 $0x640, s25  }
.LBB2_5:
0x95: {  	_ =	sfence.sel $0x180000  }
0x96: {  	[bflag:$0x0] =	sbarrier.arrive $0xFFFF  }
0x97: {  	_ =	strace $0x90000047  }
0x98: {  	s0 =	stileid.u32;
	[bflag:$0x2] =	sbarrier.arrive $0xFFFF  }
0x99: {  	p0 =	sne.s32 s0, $0x0;
	s0 =	rddreg [dreg:$0x2]  }
0x9a: {  	s0 =	sadd.s32 @!p0 $0x100000, s0  }
0x9b: {  	[sflag:s0] =	ssyncadd.tile.s32 @!p0 $0x1;
	_ =	shalt  }
.Lfunc_end2:
_tile_overlayer_lowered:
.L_overlay_start_2:
0x9c: {  	(tag) =	ssettag $0x2  }
0x9d: {  	s0 =	rddreg [dreg:$0x0];
	s2 =	stileid.u32  }
0x9e: {  	s1 =	rddreg [dreg:$0x1];
	p0 =	sne.s32 s2, $0x0  }
0x9f: {  	s3 =	rddreg [dreg:$0x2];
	[bflag:$0x3] =	sbarrier.arrive $0xFFFF;
	s2 =	simm.s32 @!p0 $0x1C10  }
0xa0: {  	[timem:s3], [sflag:s2] =	dma.local @!p0 [hbm:s0], s1  }
0xa1: {  	s0 =	simm.s32 @!p0 $0x10  }
0xa2: {  	_ =	swait.ge @!p0 [sflag:s0], s1  }
0xa3: {  	s1 =	ssub.s32 @!p0 $0x0, s1;
	[sflag:s0] =	ssyncset.done @!p0 $0x0  }
0xa4: {  	[sflag:s0] =	ssyncadd.s32 @!p0 s1  }
0xa5: {  	[bflag:$0x3] =	sbarrier.arrive $0xFFFF  }
0xa6: {  	_ =	shalt  }

// kernel: sparse-core-data-format-call.cloned.1.call-start
scs
called_computation_lowered:
.L_overlay_start_0:
0x0: {  	s2 =	sld [smem:$0x3FD9]  }
0x1: {  	s3 =	sld [smem:$0x3FFE];
	_ =	sdelay $0x1  }
0x2: {  	s1 =	srdreg.scid  }
0x3: {  	s0 =	sand.u32 $0x1, s1  }
0x4: {  	s18 =	sshll.u32 s0, $0xA;
	s2 =	sadd.s32 s3, s2  }
0x5: {  	s2 =	sadd.s32 s2, s18  }
0x6: {  	[smem:$0x3FC6] =	sst s2  }
0x7: {  	_ = 	snop  }
0x8: {  	s2 =	sld [smem:$0x3FD0];
	(tm) =	ssettm $0x1  }
0x9: {  	s19 =	sld [smem:$0x3FFB];
	_ =	sdelay $0x3  }
0xa: {  	_ =	strace s19  }
0xb: {  	s3 =	sld [smem:$0x3FFC];
	_ =	sdelay $0x3  }
0xc: {  	_ =	strace s3  }
0xd: {  	s3 =	sld [smem:$0x3FFD];
	_ =	sdelay $0x3  }
0xe: {  	_ =	strace s3  }
0xf: {  	_ =	strace $0x8FFFFFFF  }
0x10: {  	s20 =	sld [smem:$0x3FDB];
	_ =	sdelay $0x1  }
0x11: {  	s4 =	simm.s32 $_scs_section_size  }
0x12: {  	s5 =	simm.s32 $_size__tile_overlayer_lowered;
	s6 =	simm.s32 $_tile_overlayer_lowered  }
0x13: {  	s23 =	simm.s32 $0x1BFF;
	s22 =	sshll.u32 s6, $0x1;
	s3 =	sadd.s32 s4, s20  }
0x14: {  	s7 =	simm.s32 $0x0;
	s21 =	sshll.u32 s5, $0x1;
	s5 =	sadd.s32 s22, s3  }
0x15: {  	[timem:s7], [sflag:s23] =	dma.local [hbm:s5], s21  }
0x16: {  	_ =	swait.ge [sflag:s23], s21  }
0x17: {  	s4 =	ssub.s32 $0x0, s21;
	[sflag:s23] =	ssyncset.done $0x0  }
0x18: {  	[sflag:s23] =	ssyncadd.s32 s4;
	_ =	sdelay $0x1  }
0x19: {  	s24 =	simm.s32 $0x1B8B  }
0x1a: {  	_ =	swait.ge [sflag:s24], $0x1  }
0x1b: {  	[sflag:s24] =	ssyncset.done $0x0  }
0x1c: {  	s26 =	simm.s32 $0x1B8E;
	s25 =	sld [smem:$0x3FFE];
	[sflag:s24] =	ssyncadd.s32 $0xFFFFFFFF  }
0x1d: {  	s27 =	simm.s32 $execute0_lowered;
	[smem:$0x3FD2] =	sst s26  }
0x1e: {  	s5 =	sshll.u32 s27, $0x1;
	_ =	strace $0x80000049;
	[dreg:$0x1] =	wrdreg $0xFFFFFFFF  }
0x1f: {  	s28 =	simm.s32 $_size_execute0_lowered;
	s3 =	sadd.s32 s3, s5;
	[dreg:$0x0] =	wrdreg $0x0  }
0x20: {  	s5 =	sshll.u32 s28, $0x1;
	[dreg:$0x2] =	wrdreg s3  }
0x21: {  	[dreg:$0x3] =	wrdreg s5  }
0x22: {  	[dreg:$0x4] =	wrdreg $0xC0  }
0x23: {  	_ =	task [dreg:s7], $0x5FFFF  }
0x24: {  	[dreg:$0x1] =	wrdreg $0xFFFFFFFF  }
0x25: {  	[dreg:$0x0] =	wrdreg $0x60  }
0x26: {  	[dreg:$0x2] =	wrdreg s25  }
0x27: {  	[dreg:$0x3] =	wrdreg s2  }
0x28: {  	[dreg:$0x4] =	wrdreg $0x9  }
0x29: {  	_ =	task.clear_ibuf [dreg:s7], $0x5FFFF;
	_ =	strace $0x90000049  }
0x2a: {  	s29 =	simm.s32 $0x9;
	_ =	strace $0x8000004B  }
0x2b: {  	_ =	swait.ge [sflag:s29], $0x1  }
0x2c: {  	[sflag:s29] =	ssyncadd.s32 $0xFFFFFFFF  }
0x2d: {  	_ =	strace $0x9000004B  }
0x2e: {  	_ =	sfence  }
0x2f: {  	s30 =	sld [smem:$0x0];
	_ =	sdelay $0x2  }
0x30: {  	s31 =	sshll.u32 s1, $0xD;
	s1 =	sshrl.u32 s1, $0x2  }
0x31: {  	s3 =	sand.u32 $0x4000, s31;
	s1 =	sadd.s32 s1, s30  }
0x32: {  	s0 =	sor.u32 s3, s0;
	s1 =	sshll.u32 s1, $0x11  }
0x33: {  	s0 =	sor.u32 s1, s0  }
0x34: {  	s0 =	sadd.s32 $0x8F2B, s0  }
0x35: {  	[sflag:s0] =	ssyncadd.remote.s32 $0x1  }
0x36: {  	_ =	sfence.sel $0xFFFF  }
0x37: {  	[dreg:$0x0] =	wrdreg $0xFFFFFFFF;
	(pc) =	sbr.abs _section_cstart, $3  }
0x38: {  	[dreg:$0x1] =	wrdreg $0xFFFFFFFF  }
0x39: {  	_ =	task.clear_ibuf [dreg:s7], $0x2FFFF;
	_ =	strace $0x9FFFFFFF  }
0x3a: {  	(tm) =	ssettm $0x7FFFFFFF  }
0x3b: {  	_ =	shalt  }
tec
execute0_lowered:
.L_overlay_start_1:
0x0: {  	(tag) =	ssettag $0x1  }
0x1: {  	s0 =	srdreg.scid  }
0x2: {  	s1 =	sshll.u32 s0, $0x4  }
0x3: {  	s0 =	stileid.u32;
	s1 =	sand.u32 $0x10, s1  }
0x4: {  	s1 =	sor.u32 s0, s1  }
0x5: {  	s6 =	rddreg [dreg:$0x0];
	s4 =	simm.s32 $0x1;
	s2 =	sshll.u32 s1, $0x7  }
0x6: {  	s7 =	simm.s32 $0x2;
	s12 =	simm.s32 $0x0;
	s1 =	ssub.s32 $0x4000, s2  }
0x7: {  	s8 =	simm.s32 $0x20000;
	s13 =	simm.s32 $0x0;
	s3 =	sand.u32 $0xF80, s1  }
0x8: {  	s9 =	simm.s32 $0x0;
	s5 =	sshrl.u32 s1, $0xC;
	p0 =	sne.s32 s3, $0x0  }
.Ltmp0:
0x9: {  	s1 =	rddreg [dreg:$0x2];
	s4 =	simm.s32 @!p0 $0x0;
	(pc) =	sbr.rel .LBB1_1-.Ltmp0, $4  }
0xa: {  	s11 =	simm.s32 $0x0;
	s3 =	rddreg [dreg:$0x1];
	s5 =	sadd.s32 s4, s5  }
0xb: {  	_ =	strace $0x8000004A;
	s4 =	simm.s32 $0x1;
	s5 =	smul.u32 $0x32, s5  }
0xc: {  	s6 =	sadd.s32 $0xA00, s6;
	s10 =	smov.u32 s2;
	[sflag:s4] =	ssyncpa.u1 $0x0  }
0xd: {  	p0 =	por $0x0, $0x0;
	[sflag:s7] =	ssyncpa.u1 $0x0;
	s7 =	sor.u32 $0x1, s5  }
.LBB1_4:
0xe: {  	s16 =	sshll.u32 s13, $0x3;
	s17 =	sand.u32 $0x78, s13  }
0xf: {  	s30 =	sand.u32 $0x1F800, s13;
	s12 =	sshll.u32 s12, $0x11;
	s16 =	sand.u32 $0x3C00, s16  }
0x10: {  	[tilespmem:s15+$0x810 ss:$0x81] =	vst.msk $0xffff, v2;
	s31 =	sand.u32 $0x7, s13;
	s16 =	sor.u32 s17, s16;
	s17 =	sadd.s32 s3, s30  }
0x11: {  	[tilespmem:s15+$0x1020 ss:$0x81] =	vst.msk $0xffff, v0;
	s13 =	sshll.u32 s31, $0x12;
	s12 =	sadd.s32 s12, s17;
	s16 =	sshrl.u32 s16, $0x3  }
0x12: {  	[tilespmem:s15+$0x0 ss:$0x81] =	vst.msk $0xffff, v1;
	s13 =	sor.u32 $0x400, s13;
	s12 =	sadd.s32 s16, s12  }
0x13: {  	[hbm4b:s12+s13] =	stream.strided.scatter [tilespmem:s14], [sflag:$0x2], $0x2000, s8, s13, $0x20;
	[tilespmem:$0x8080] =	vst v63  }
.LBB1_5:
0x14: {  	s14 =	sadd.s32 $0x1, s9  }
0x15: {  	s12 =	sadd.s32 $0x1000, s10;
	s16 =	smov.u32 s10;
	p2 =	sgt.s32 s14, $0x31  }
0x16: {  	s16 =	smov.u32 @p2 s12  }
0x17: {  	s14 =	simm.s32 @p2 $0x0;
	p2 =	sgt.s32 s16, $0x3FFF  }
0x18: {  	s16 =	smov.u32 @p2 s2;
	p2 =	sne.s32 s11, s7  }
.Ltmp1:
0x19: {  	p1 =	slt.u32 s11, $0x2;
	(pc) =	sbr.rel @!p2 .LBB1_6-.Ltmp1, $4  }
0x1a: {  	s15 =	simm.s32 @!p1 $0x2  }
0x1b: {  	s13 =	smov.u32 s10;
	p0 =	por !p0, !p0;
	_ =	swait.ge @!p1 [sflag:s15], $0x2000  }
0x1c: {  	s12 =	smov.u32 s9;
	[sflag:s15] =	ssyncset.done @!p1 $0x0;
	s9 =	smov.u32 s14  }
0x1d: {  	s11 =	sadd.s32 $0x1, s11;
	[sflag:s15] =	ssyncadd.s32 @!p1 $0xFFFFE000;
	s10 =	smov.u32 s16  }
.LBB1_1:
0x1e: {  	p1 =	sge.u32 s11, s5  }
0x1f: {  	s14 =	sand.u32 @!p1 $0x1FFFFFF, s9  }
0x20: {  	s15 =	smulhi.u32 @!p1 $0x4924925, s14;
	_ =	sdelay $0x1  }
0x21: {  	s15 =	smul.u32 @!p1 $0x38, s15  }
0x22: {  	s16 =	sxor.u32 @!p1 $0xFFFFFFFF, s11;
	s17 =	smul.u32 @!p1 $0x380, s10  }
0x23: {  	s31 =	sadd.s32 $0xFFFFFFFF, s11;
	s16 =	sshll.u32 @!p1 s16, $0xD;
	s14 =	ssub.s32 @!p1 s14, s15  }
0x24: {  	s15 =	sand.u32 @!p1 $0x2000, s16;
	s16 =	sadd.s32 @!p1 s6, s17;
	s14 =	sshll.u32 @!p1 s14, $0x4  }
0x25: {  	s17 =	simm.s32 @!p1 $0x1C00;
	s14 =	sadd.s32 @!p1 s14, s16;
	s16 =	simm.s32 @!p1 $0x40  }
0x26: {  	[tilespmem:s15], [sflag:$0x1] =	stream.strided.gather @!p1 [hbm4b:s14+s16], $0x2000, s17, s16, $0x38;
	[tilespmem:$0x8080] =	vst v63  }
0x27: {  	p1 =	sge.u32 s31, s5  }
.Ltmp2:
0x28: {  	_ = 	snop;
	(pc) =	sbr.rel @p1 .LBB1_5-.Ltmp2, $1  }
0x29: {  	_ =	sdelay $0x3  }
0x2a: {  	s14 =	simm.s32 $0x1  }
0x2b: {  	_ =	swait.ge [sflag:s4], $0x2000;
	s14 =	simm.s32 @!p0 $0x0  }
0x2c: {  	[sflag:s4] =	ssyncset.done $0x0;
	s15 =	sshll.u32 s14, $0xD  }
0x2d: {  	[sflag:s4] =	ssyncadd.s32 $0xFFFFE000;
	s18 =	sor.u32 $0x20, s15  }
0x2e: {  	s14 =	smul.u32 $0x8100, s14;
	v3 =	vld [tilespmem:s18+$0x10]  }
0x2f: {  	s30 =	sand.u32 $0x1, s11;
	v2 =	vld [tilespmem:s18+$0xFFFFFFF0]  }
0x30: {  	s15 =	smul.u32 $0x8100, s30;
	s14 =	sshrl.u32 s14, $0x2;
	v0 =	vld [tilespmem:s18+$0x0]  }
0x31: {  	v1 =	vld [tilespmem:s18+$0xFFFFFFE0];
	s16 =	sor.u32 $0x4000, s14  }
0x32: {  	s31 =	sshrl.u32 s15, $0x2;
	s15 =	sadd.s32 $0x0, s16  }
0x33: {  	s17 =	simm.s32 $0x4;
	s18 =	sadd.s32 $0x40, s18;
	s14 =	sor.u32 $0x4000, s31;
	[tilespmem:s15+$0x1830 ss:$0x81] =	vst.msk $0xffff, v3  }
.LBB1_3:
0x34: {  	v3 =	vld [tilespmem:s18+$0x10];
	p1 =	sne.s32 s17, $0x1FC;
	[tilespmem:s15+$0x810 ss:$0x81] =	vst.msk $0xffff, v2;
	s19 =	smov.u32 s17;
	s17 =	sadd.s32 $0x4, s17  }
.Ltmp3:
0x35: {  	v2 =	vld [tilespmem:s18+$0xFFFFFFF0];
	[tilespmem:s15+$0x1020 ss:$0x81] =	vst.msk $0xffff, v0;
	(pc) =	sbr.rel @p1 .LBB1_3-.Ltmp3, $4  }
0x36: {  	v0 =	vld [tilespmem:s18+$0x0];
	[tilespmem:s15+$0x0 ss:$0x81] =	vst.msk $0xffff, v1  }
0x37: {  	s15 =	sshra.s32 s19, $0x2;
	v1 =	vld [tilespmem:s18+$0xFFFFFFE0]  }
0x38: {  	s15 =	sadd.s32 s15, s16  }
0x39: {  	s18 =	sadd.s32 $0x40, s18;
	[tilespmem:s15+$0x1830 ss:$0x81] =	vst.msk $0xffff, v3  }
.Ltmp4:
0x3a: {  	_ = 	snop;
	(pc) =	sbr.rel .LBB1_4-.Ltmp4, $1  }
0x3b: {  	_ =	sdelay $0x3  }
.LBB1_6:
0x3c: {  	_ =	sfence.sel $0x180000  }
0x3d: {  	s2 =	simm.s32 $0x1;
	[bflag:$0x0] =	sbarrier.arrive $0xFFFF  }
0x3e: {  	s31 =	simm.s32 $0x2;
	[sflag:s2] =	ssyncpa.u1 $0x1  }
0x3f: {  	[sflag:s31] =	ssyncpa.u1 $0x1  }
0x40: {  	p0 =	sne.s32 s0, $0x0;
	_ =	strace $0x9000004A  }
0x41: {  	s0 =	sadd.s32 @!p0 $0x100000, s1;
	[bflag:$0x2] =	sbarrier.arrive $0xFFFF  }
0x42: {  	[sflag:s0] =	ssyncadd.tile.s32 @!p0 $0x1;
	_ =	shalt  }
.Lfunc_end1:
_tile_overlayer_lowered:
.L_overlay_start_2:
0x43: {  	(tag) =	ssettag $0x2  }
0x44: {  	s0 =	rddreg [dreg:$0x0];
	s2 =	stileid.u32  }
0x45: {  	s1 =	rddreg [dreg:$0x1];
	p0 =	sne.s32 s2, $0x0  }
0x46: {  	s3 =	rddreg [dreg:$0x2];
	[bflag:$0x3] =	sbarrier.arrive $0xFFFF;
	s2 =	simm.s32 @!p0 $0x1C01  }
0x47: {  	[timem:s3], [sflag:s2] =	dma.local @!p0 [hbm:s0], s1  }
0x48: {  	s0 =	simm.s32 @!p0 $0x1  }
0x49: {  	_ =	swait.ge @!p0 [sflag:s0], s1  }
0x4a: {  	s1 =	ssub.s32 @!p0 $0x0, s1;
	[sflag:s0] =	ssyncset.done @!p0 $0x0  }
0x4b: {  	[sflag:s0] =	ssyncadd.s32 @!p0 s1  }
0x4c: {  	[bflag:$0x3] =	sbarrier.arrive $0xFFFF  }
0x4d: {  	_ =	shalt  }

</sc_bundles>
